<compile_context>
chip_gen: v7x
topology: tpu7x:2x2x1
jax: 0.10.2.dev20260603
libtpu: 0.0.44.dev20260713+nightly
codegen_flags: <defaults>
</compile_context>

<pallas_src>
import functools

import jax
import jax.numpy as jnp
from jax import lax
from jax.experimental import pallas as pl
from jax.experimental.pallas import tpu as pltpu
from jax.experimental.pallas import tpu_sc as plsc

N = 10000
H = 8
C = 8
F = 64

NP = 10240
GW = 80
DW = 16
BLK = 1280
NTC = NP // BLK

NCORE = 2
NSUB = 16
NWORK = NCORE * NSUB
K = 128
_SQ = float((1.0 + 1e-5) ** -0.5)



def _sel(shape, fn):
    i0 = lax.broadcasted_iota(jnp.int32, shape, 0)
    i1 = lax.broadcasted_iota(jnp.int32, shape, 1)
    return fn(i0, i1).astype(jnp.float32)


def _tables_block(x_ref, w_ref, asrc_ref, adst_ref, g_ref, d_ref):
    h = jnp.dot(x_ref[...], w_ref[...], preferred_element_type=jnp.float32)
    p1 = _sel((F, GW), lambda i, j: i == j)
    s80 = _sel((F, GW), lambda i, j: j == F + i // C)
    s16 = _sel((F, DW), lambda i, j: j == i // C)
    g_ref[...] = jnp.dot(h, p1, preferred_element_type=jnp.float32, precision=lax.Precision.HIGHEST) + jnp.dot(
        h * asrc_ref[...], s80, preferred_element_type=jnp.float32, precision=lax.Precision.HIGHEST)
    d_ref[...] = jnp.dot(h * adst_ref[...], s16,
                         preferred_element_type=jnp.float32, precision=lax.Precision.HIGHEST)


def _tables(x, W, asrc_vec, adst_vec):
    fin = x.shape[1]
    full = lambda s: pl.BlockSpec(s, lambda i: tuple(0 for _ in s))
    return pl.pallas_call(
        _tables_block,
        grid=(NTC,),
        in_specs=[pl.BlockSpec((BLK, fin), lambda i: (i, 0)),
                  full((fin, F)), full((1, F)), full((1, F))],
        out_specs=[pl.BlockSpec((BLK, GW), lambda i: (i, 0)),
                   pl.BlockSpec((BLK, DW), lambda i: (i, 0))],
        out_shape=[jax.ShapeDtypeStruct((NP, GW), jnp.float32),
                   jax.ShapeDtypeStruct((NP, DW), jnp.float32)],
    )(x, W, asrc_vec, adst_vec)


def _combine_block(a0_ref, a1_ref, b_ref, o_ref):
    t = a0_ref[...] + a1_ref[...]
    nmat = _sel((GW, F), lambda i, j: i == j)
    bmat = _sel((GW, F), lambda i, j: i == F + j // C)
    num = jnp.dot(t, nmat, preferred_element_type=jnp.float32, precision=lax.Precision.HIGHEST)
    den = jnp.dot(t, bmat, preferred_element_type=jnp.float32, precision=lax.Precision.HIGHEST)
    out = num / (den + 1e-16) + b_ref[...]
    o_ref[...] = jnp.where(out > 0.0, out, jnp.exp(out) - 1.0)


def _combine_elu(acc0, acc1, b):
    full = lambda s: pl.BlockSpec(s, lambda i: tuple(0 for _ in s))
    return pl.pallas_call(
        _combine_block,
        grid=(NTC,),
        in_specs=[pl.BlockSpec((BLK, GW), lambda i: (i, 0)),
                  pl.BlockSpec((BLK, GW), lambda i: (i, 0)),
                  full((1, F))],
        out_specs=pl.BlockSpec((BLK, F), lambda i: (i, 0)),
        out_shape=jax.ShapeDtypeStruct((NP, F), jnp.float32),
    )(acc0, acc1, b)


def _head_block(h_ref, wm1, bm1, g1, be1, wm2, bm2, g2, be2, wm3, bm3, g3,
                be3, wout, bout, o_ref):
    z = jnp.maximum(jnp.dot(h_ref[...], wm1[...],
                            preferred_element_type=jnp.float32) + bm1[...], 0.0)
    z = g1[...] * z * _SQ + be1[...]
    z = jnp.maximum(jnp.dot(z, wm2[...],
                            preferred_element_type=jnp.float32) + bm2[...], 0.0)
    z = g2[...] * z * _SQ + be2[...]
    z = jnp.maximum(jnp.dot(z, wm3[...],
                            preferred_element_type=jnp.float32) + bm3[...], 0.0)
    z = g3[...] * z * _SQ + be3[...]
    o_ref[...] = jnp.dot(z, wout[...],
                         preferred_element_type=jnp.float32) + bout[...]


def _mlp_head(h, Wm1, bm1, g1, be1, Wm2, bm2, g2, be2, Wm3, bm3, g3, be3,
              Wout, bout):
    full = lambda s: pl.BlockSpec(s, lambda i: tuple(0 for _ in s))
    return pl.pallas_call(
        _head_block,
        grid=(NTC,),
        in_specs=[pl.BlockSpec((BLK, F), lambda i: (i, 0)),
                  full((F, 32)), full((1, 32)), full((1, 32)), full((1, 32)),
                  full((32, 16)), full((1, 16)), full((1, 16)), full((1, 16)),
                  full((16, 8)), full((1, 8)), full((1, 8)), full((1, 8)),
                  full((8, 8)), full((1, 8))],
        out_specs=pl.BlockSpec((BLK, 8), lambda i: (i, 0)),
        out_shape=jax.ShapeDtypeStruct((NP, 8), jnp.float32),
    )(h, Wm1, bm1, g1, be1, Wm2, bm2, g2, be2, Wm3, bm3, g3, be3, Wout, bout)



def _edge_pass_body(g_hbm, d_hbm, src_hbm, dst_hbm, zero_hbm, out_hbm,
                    srcv, dstv, gbuf0, gbuf1, dbuf0, dbuf1, sbuf0, sbuf1,
                    acc, gsem0, gsem1, dsem0, dsem1):
    cid = lax.axis_index("c")
    sid = lax.axis_index("s")
    nb = src_hbm.shape[1]
    rpt = NP // NSUB

    pltpu.sync_copy(zero_hbm, acc.at[pl.ds(sid * rpt, rpt)])

    wid = sid * NCORE + cid
    pltpu.sync_copy(src_hbm.at[wid], srcv)
    pltpu.sync_copy(dst_hbm.at[wid], dstv)

    lane = lax.iota(jnp.int32, 16)
    hi = lane >> 3
    lo = lane & 7
    col_a = F + lo
    zero16 = jnp.zeros((16,), jnp.float32)
    bcast_cols = [F + 2 * j + hi for j in range(4)]

    @pl.loop(0, K)
    def _init(i):
        sbuf0[i, pl.ds(F, 16)] = zero16
        sbuf1[i, pl.ds(F, 16)] = zero16

    plsc.subcore_barrier()

    def compute(gb, db, sb):
        @pl.loop(0, K, step=2)
        def _pair(i):
            rowp = hi + i
            a = plsc.load_gather(gb, [rowp, col_a])
            d = plsc.load_gather(db, [rowp, lo])
            s = (a + d) * 1.4426950408889634
            y = jnp.maximum(s, s * 0.2)
            t = y + 0.5
            ki = t.astype(jnp.int32)
            kt = ki.astype(jnp.float32)
            less = t < kt
            kf = kt - jnp.where(less, 1.0, 0.0)
            z = (y - kf) * 0.6931471805599453
            p = 1.0 + z * (1.0 + z * (0.5 + z * (
                0.16666666666666666 + z * (0.041666666666666664 + z * (
                    0.008333333333333333 + z * 0.001388888888888889)))))
            ki = jnp.where(less, ki - 1, ki)
            ki = jnp.clip(ki, -126, 127)
            ex = p * plsc.bitcast((ki + 127) << 23, jnp.float32)
            plsc.store_scatter(sb, [rowp, col_a], ex)
            for k in range(2):
                row = jnp.full((16,), i + k, dtype=jnp.int32)
                for j in range(4):
                    bc = plsc.load_gather(sb, [row, bcast_cols[j]])
                    sb[i + k, pl.ds(16 * j, 16)] = (
                        gb[i + k, pl.ds(16 * j, 16)] * bc)

    def fetch(b, gb, db, gs, ds):
        cg = pltpu.async_copy(g_hbm.at[srcv.at[b]], gb, gs)
        cd = pltpu.async_copy(d_hbm.at[dstv.at[b]], db, ds)
        return cg, cd

    def waitp(p):
        p[0].wait()
        p[1].wait()

    @pl.loop(0, nb)
    def _blk(b):
        waitp(fetch(b, gbuf0, dbuf0, gsem0, dsem0))
        compute(gbuf0, dbuf0, sbuf0)
        pltpu.sync_copy(sbuf0, acc.at[dstv.at[b]], add=True)

    plsc.subcore_barrier()
    pltpu.sync_copy(acc.at[pl.ds(sid * rpt, rpt)],
                    out_hbm.at[cid].at[pl.ds(sid * rpt, rpt)])


def _edge_pass(g, d, src3, dst3, zero_rows):
    mesh = plsc.VectorSubcoreMesh(core_axis_name="c", subcore_axis_name="s")
    nb = src3.shape[1]
    cp = pltpu.CompilerParams(needs_layout_passes=False,
                              use_tc_tiling_on_sc=False)
    kern = functools.partial(
        pl.kernel,
        compiler_params=cp,
        out_type=jax.ShapeDtypeStruct((NCORE, NP, GW), jnp.float32),
        mesh=mesh,
        scratch_types=[
            pltpu.VMEM((nb, K), jnp.int32),
            pltpu.VMEM((nb, K), jnp.int32),
            pltpu.VMEM((K, GW), jnp.float32),
            pltpu.VMEM((K, GW), jnp.float32),
            pltpu.VMEM((K, DW), jnp.float32),
            pltpu.VMEM((K, DW), jnp.float32),
            pltpu.VMEM((K, GW), jnp.float32),
            pltpu.VMEM((K, GW), jnp.float32),
            pltpu.VMEM_SHARED((NP, GW), jnp.float32),
            pltpu.SemaphoreType.DMA,
            pltpu.SemaphoreType.DMA,
            pltpu.SemaphoreType.DMA,
            pltpu.SemaphoreType.DMA,
        ],
    )(_edge_pass_body)
    return kern(g, d, src3, dst3, zero_rows)



def kernel(x, edge_index, W1, a_src1, a_dst1, b1, W2, a_src2, a_dst2, b2,
           Wm1, bm1, g1, be1, Wm2, bm2, g2, be2, Wm3, bm3, g3, be3,
           Wout, bout):
    n = x.shape[0]
    loop = jnp.arange(n, dtype=edge_index.dtype)
    src = jnp.concatenate([edge_index[0], loop])
    dst = jnp.concatenate([edge_index[1], loop])
    e_tot = src.shape[0]
    ept = ((e_tot + NWORK * K - 1) // (NWORK * K)) * K
    epad = NWORK * ept - e_tot
    trash = jnp.full((epad,), N, dtype=src.dtype)
    src3 = jnp.concatenate([src, trash]).reshape(NWORK, ept // K, K)
    dst3 = jnp.concatenate([dst, trash]).reshape(NWORK, ept // K, K)

    xp = jnp.pad(x, ((0, NP - n), (0, 0)))
    zero_rows = jnp.zeros((NP // NSUB, GW), jnp.float32)

    g1t, d1t = _tables(xp, W1, a_src1.reshape(1, F), a_dst1.reshape(1, F))
    acc1 = _edge_pass(g1t, d1t, src3, dst3, zero_rows)
    h1 = _combine_elu(acc1[0], acc1[1], b1.reshape(1, F))

    g2t, d2t = _tables(h1, W2, a_src2.reshape(1, F), a_dst2.reshape(1, F))
    acc2 = _edge_pass(g2t, d2t, src3, dst3, zero_rows)
    h2 = _combine_elu(acc2[0], acc2[1], b2.reshape(1, F))

    out = _mlp_head(h2, Wm1, bm1.reshape(1, 32), g1.reshape(1, 32),
                    be1.reshape(1, 32), Wm2, bm2.reshape(1, 16),
                    g2.reshape(1, 16), be2.reshape(1, 16), Wm3,
                    bm3.reshape(1, 8), g3.reshape(1, 8), be3.reshape(1, 8),
                    Wout, bout.reshape(1, 8))
    return out[:n]

# --- scband reference (transcript-rebuilt; emitter-appended) ---
"""Pipeline reference for scband-net-35278861369672 (READ-ONLY COPY).

The authoritative reference and input builder live on the scoring server;
editing this copy changes nothing except your own understanding.
"""

import jax, jax.numpy as jnp
import numpy as np

N = 10000
E = 320000
FEA = 128
OUT = 8
H = 8
C = 8


def gat(x, edge_index, W, a_src, a_dst, b):
    n = x.shape[0]
    loop = jnp.arange(n, dtype=edge_index.dtype)
    src = jnp.concatenate([edge_index[0], loop])
    dst = jnp.concatenate([edge_index[1], loop])
    h = (x @ W).reshape(n, H, C)
    asrc = (h * a_src).sum(-1)
    adst = (h * a_dst).sum(-1)
    e = jax.nn.leaky_relu(asrc[src] + adst[dst], 0.2)
    m = jax.ops.segment_max(e, dst, num_segments=n)
    ex = jnp.exp(e - m[dst])
    s = jax.ops.segment_sum(ex, dst, num_segments=n)
    alpha = ex / (s[dst] + 1e-16)
    out = jax.ops.segment_sum(h[src] * alpha[:, :, None], dst, num_segments=n)
    return out.reshape(n, H * C) + b


def bn_eval(x, g, b):
    # BatchNorm1d in eval mode with running_mean=0, running_var=1
    return g * x / jnp.sqrt(1.0 + 1e-5) + b


def setup_inputs(seed: int = 0):
    key = jax.random.key(seed)
    ks = jax.random.split(key, 30)
    f32 = jnp.float32

    def w(k, shape, fan_in):
        return jax.random.normal(k, shape, dtype=f32) * (1.0 / np.sqrt(fan_in))

    inp = {}
    inp["x"] = jax.random.normal(ks[0], (N, FEA), dtype=f32)
    inp["edge_index"] = jax.random.randint(ks[1], (2, E), 0, N, dtype=jnp.int32)
    inp["W1"] = w(ks[2], (FEA, H * C), FEA)
    inp["a_src1"] = w(ks[3], (1, H, C), C)
    inp["a_dst1"] = w(ks[4], (1, H, C), C)
    inp["b1"] = jnp.zeros((H * C,), f32)
    inp["W2"] = w(ks[5], (H * C, H * C), H * C)
    inp["a_src2"] = w(ks[6], (1, H, C), C)
    inp["a_dst2"] = w(ks[7], (1, H, C), C)
    inp["b2"] = jnp.zeros((H * C,), f32)
    inp["Wm1"] = w(ks[8], (64, 32), 64)
    inp["bm1"] = jnp.zeros((32,), f32)
    inp["g1"] = jnp.ones((32,), f32)
    inp["be1"] = jnp.zeros((32,), f32)
    inp["Wm2"] = w(ks[9], (32, 16), 32)
    inp["bm2"] = jnp.zeros((16,), f32)
    inp["g2"] = jnp.ones((16,), f32)
    inp["be2"] = jnp.zeros((16,), f32)
    inp["Wm3"] = w(ks[10], (16, 8), 16)
    inp["bm3"] = jnp.zeros((8,), f32)
    inp["g3"] = jnp.ones((8,), f32)
    inp["be3"] = jnp.zeros((8,), f32)
    inp["Wout"] = w(ks[11], (8, OUT), 8)
    inp["bout"] = jnp.zeros((OUT,), f32)
    return inp


def reference(x, edge_index, W1, a_src1, a_dst1, b1, W2, a_src2, a_dst2, b2, Wm1, bm1, g1, be1, Wm2, bm2, g2, be2, Wm3, bm3, g3, be3, Wout, bout):
    # eval mode: dropout = identity
    h = jax.nn.elu(gat(x, edge_index, W1, a_src1, a_dst1, b1))
    h = jax.nn.elu(gat(h, edge_index, W2, a_src2, a_dst2, b2))
    h = bn_eval(jax.nn.relu(h @ Wm1 + bm1), g1, be1)
    h = bn_eval(jax.nn.relu(h @ Wm2 + bm2), g2, be2)
    h = bn_eval(jax.nn.relu(h @ Wm3 + bm3), g3, be3)
    return h @ Wout + bout

if __name__ == "__main__":
    import jax
    _d = setup_inputs()
    print(jax.jit(kernel)(*tuple(_d.values())))

</pallas_src>

<mosaic_0001>
#map = affine_map<(d0, d1) -> (0, 0)>
#map1 = affine_map<(d0, d1) -> (0, 0, 0)>
module attributes {stable_mosaic.version = 14 : i64} {
  func.func @_edge_pass_body(%arg0: i32, %arg1: i32, %arg2: memref<10240x80xf32, #tpu.memory_space<hbm>>, %arg3: memref<10240x16xf32, #tpu.memory_space<hbm>>, %arg4: memref<32x81x128xi32, #tpu.memory_space<hbm>>, %arg5: memref<32x81x128xi32, #tpu.memory_space<hbm>>, %arg6: memref<640x80xf32, #tpu.memory_space<hbm>>, %arg7: memref<2x10240x80xf32, #tpu.memory_space<hbm>>, %arg8: memref<81x128xi32, #tpu.memory_space<vmem>>, %arg9: memref<81x128xi32, #tpu.memory_space<vmem>>, %arg10: memref<128x80xf32, #tpu.memory_space<vmem>>, %arg11: memref<128x80xf32, #tpu.memory_space<vmem>>, %arg12: memref<128x16xf32, #tpu.memory_space<vmem>>, %arg13: memref<128x16xf32, #tpu.memory_space<vmem>>, %arg14: memref<128x80xf32, #tpu.memory_space<vmem>>, %arg15: memref<128x80xf32, #tpu.memory_space<vmem>>, %arg16: memref<10240x80xf32, #tpu.memory_space<vmem_shared>>, %arg17: memref<!tpu.dma_semaphore, #tpu.memory_space<semaphore_mem>>, %arg18: memref<!tpu.dma_semaphore, #tpu.memory_space<semaphore_mem>>, %arg19: memref<!tpu.dma_semaphore, #tpu.memory_space<semaphore_mem>>, %arg20: memref<!tpu.dma_semaphore, #tpu.memory_space<semaphore_mem>>) attributes {dimension_semantics = [#tpu.dimension_semantics<core_parallel>, #tpu.dimension_semantics<subcore_parallel>], iteration_bounds = array<i64: 2, 16>, scalar_prefetch = 0 : i64, scratch_operands = 13 : i64, tpu.core_type = #tpu.core_type<sc_vector_subcore>, window_params = [{transform_indices = #map}, {transform_indices = #map}, {transform_indices = #map1}, {transform_indices = #map1}, {transform_indices = #map}, {transform_indices = #map1}]} {
    %mul3A = arith.constant 640 : i32
    %mul3A_0 = arith.muli %arg1, %mul3A : i32
    "tpu.region"() ({
      %run_scoped3A = tpu.sem_alloc : memref<!tpu.dma_semaphore, #tpu.memory_space<semaphore_mem>>
      %dma_start3A = arith.constant 0 : i32
      %dma_start3A_37 = tpu.memref_slice %arg16[%mul3A_0, %dma_start3A] : memref<10240x80xf32, #tpu.memory_space<vmem_shared>> -> memref<640x80xf32, #tpu.memory_space<vmem_shared>>
      tpu.enqueue_dma source(%arg6 : memref<640x80xf32, #tpu.memory_space<hbm>>) target(%dma_start3A_37 : memref<640x80xf32, #tpu.memory_space<vmem_shared>>) target_semaphore(%run_scoped3A : memref<!tpu.dma_semaphore, #tpu.memory_space<semaphore_mem>>)
      %dma_wait3A = arith.constant 0 : i32
      %dma_wait3A_38 = tpu.memref_slice %arg16[%mul3A_0, %dma_wait3A] : memref<10240x80xf32, #tpu.memory_space<vmem_shared>> -> memref<640x80xf32, #tpu.memory_space<vmem_shared>>
      tpu.wait_dma2 semaphore(%run_scoped3A : memref<!tpu.dma_semaphore, #tpu.memory_space<semaphore_mem>>) src(%arg6 : memref<640x80xf32, #tpu.memory_space<hbm>>) dst(%dma_wait3A_38 : memref<640x80xf32, #tpu.memory_space<vmem_shared>>)
      tpu.yield
    }) : () -> ()
    %mul3A_1 = arith.constant 2 : i32
    %mul3A_2 = arith.muli %arg1, %mul3A_1 : i32
    %add3A = arith.addi %mul3A_2, %arg0 : i32
    "tpu.region"() ({
      %run_scoped3A = tpu.sem_alloc : memref<!tpu.dma_semaphore, #tpu.memory_space<semaphore_mem>>
      %dma_start3A = arith.constant 0 : i32
      %dma_start3A_37 = arith.constant 0 : i32
      %dma_start3A_38 = tpu.memref_slice %arg4[%add3A, %dma_start3A, %dma_start3A_37] : memref<32x81x128xi32, #tpu.memory_space<hbm>> -> memref<1x81x128xi32, #tpu.memory_space<hbm>>
      %dma_start3A_39 = tpu.memref_squeeze %dma_start3A_38 : memref<1x81x128xi32, #tpu.memory_space<hbm>> -> memref<81x128xi32, #tpu.memory_space<hbm>>
      %dma_start3A_40 = arith.constant 0 : i32
      %dma_start3A_41 = arith.constant 0 : i32
      %dma_start3A_42 = tpu.memref_slice %arg4[%add3A, %dma_start3A_40, %dma_start3A_41] : memref<32x81x128xi32, #tpu.memory_space<hbm>> -> memref<1x81x128xi32, #tpu.memory_space<hbm>>
      %dma_start3A_43 = tpu.memref_squeeze %dma_start3A_42 : memref<1x81x128xi32, #tpu.memory_space<hbm>> -> memref<81x128xi32, #tpu.memory_space<hbm>>
      tpu.enqueue_dma source(%dma_start3A_43 : memref<81x128xi32, #tpu.memory_space<hbm>>) target(%arg8 : memref<81x128xi32, #tpu.memory_space<vmem>>) target_semaphore(%run_scoped3A : memref<!tpu.dma_semaphore, #tpu.memory_space<semaphore_mem>>)
      %dma_wait3A = arith.constant 0 : i32
      %dma_wait3A_44 = arith.constant 0 : i32
      %dma_wait3A_45 = tpu.memref_slice %arg4[%add3A, %dma_wait3A, %dma_wait3A_44] : memref<32x81x128xi32, #tpu.memory_space<hbm>> -> memref<1x81x128xi32, #tpu.memory_space<hbm>>
      %dma_wait3A_46 = tpu.memref_squeeze %dma_wait3A_45 : memref<1x81x128xi32, #tpu.memory_space<hbm>> -> memref<81x128xi32, #tpu.memory_space<hbm>>
      %dma_wait3A_47 = arith.constant 0 : i32
      %dma_wait3A_48 = arith.constant 0 : i32
      %dma_wait3A_49 = tpu.memref_slice %arg4[%add3A, %dma_wait3A_47, %dma_wait3A_48] : memref<32x81x128xi32, #tpu.memory_space<hbm>> -> memref<1x81x128xi32, #tpu.memory_space<hbm>>
      %dma_wait3A_50 = tpu.memref_squeeze %dma_wait3A_49 : memref<1x81x128xi32, #tpu.memory_space<hbm>> -> memref<81x128xi32, #tpu.memory_space<hbm>>
      tpu.wait_dma2 semaphore(%run_scoped3A : memref<!tpu.dma_semaphore, #tpu.memory_space<semaphore_mem>>) src(%dma_wait3A_50 : memref<81x128xi32, #tpu.memory_space<hbm>>) dst(%arg8 : memref<81x128xi32, #tpu.memory_space<vmem>>)
      tpu.yield
    }) : () -> ()
    "tpu.region"() ({
      %run_scoped3A = tpu.sem_alloc : memref<!tpu.dma_semaphore, #tpu.memory_space<semaphore_mem>>
      %dma_start3A = arith.constant 0 : i32
      %dma_start3A_37 = arith.constant 0 : i32
      %dma_start3A_38 = tpu.memref_slice %arg5[%add3A, %dma_start3A, %dma_start3A_37] : memref<32x81x128xi32, #tpu.memory_space<hbm>> -> memref<1x81x128xi32, #tpu.memory_space<hbm>>
      %dma_start3A_39 = tpu.memref_squeeze %dma_start3A_38 : memref<1x81x128xi32, #tpu.memory_space<hbm>> -> memref<81x128xi32, #tpu.memory_space<hbm>>
      %dma_start3A_40 = arith.constant 0 : i32
      %dma_start3A_41 = arith.constant 0 : i32
      %dma_start3A_42 = tpu.memref_slice %arg5[%add3A, %dma_start3A_40, %dma_start3A_41] : memref<32x81x128xi32, #tpu.memory_space<hbm>> -> memref<1x81x128xi32, #tpu.memory_space<hbm>>
      %dma_start3A_43 = tpu.memref_squeeze %dma_start3A_42 : memref<1x81x128xi32, #tpu.memory_space<hbm>> -> memref<81x128xi32, #tpu.memory_space<hbm>>
      tpu.enqueue_dma source(%dma_start3A_43 : memref<81x128xi32, #tpu.memory_space<hbm>>) target(%arg9 : memref<81x128xi32, #tpu.memory_space<vmem>>) target_semaphore(%run_scoped3A : memref<!tpu.dma_semaphore, #tpu.memory_space<semaphore_mem>>)
      %dma_wait3A = arith.constant 0 : i32
      %dma_wait3A_44 = arith.constant 0 : i32
      %dma_wait3A_45 = tpu.memref_slice %arg5[%add3A, %dma_wait3A, %dma_wait3A_44] : memref<32x81x128xi32, #tpu.memory_space<hbm>> -> memref<1x81x128xi32, #tpu.memory_space<hbm>>
      %dma_wait3A_46 = tpu.memref_squeeze %dma_wait3A_45 : memref<1x81x128xi32, #tpu.memory_space<hbm>> -> memref<81x128xi32, #tpu.memory_space<hbm>>
      %dma_wait3A_47 = arith.constant 0 : i32
      %dma_wait3A_48 = arith.constant 0 : i32
      %dma_wait3A_49 = tpu.memref_slice %arg5[%add3A, %dma_wait3A_47, %dma_wait3A_48] : memref<32x81x128xi32, #tpu.memory_space<hbm>> -> memref<1x81x128xi32, #tpu.memory_space<hbm>>
      %dma_wait3A_50 = tpu.memref_squeeze %dma_wait3A_49 : memref<1x81x128xi32, #tpu.memory_space<hbm>> -> memref<81x128xi32, #tpu.memory_space<hbm>>
      tpu.wait_dma2 semaphore(%run_scoped3A : memref<!tpu.dma_semaphore, #tpu.memory_space<semaphore_mem>>) src(%dma_wait3A_50 : memref<81x128xi32, #tpu.memory_space<hbm>>) dst(%arg9 : memref<81x128xi32, #tpu.memory_space<vmem>>)
      tpu.yield
    }) : () -> ()
    %iota3A = tpu.iota {dimensions = array<i32: 0>} : vector<16xi32>
    %shift_right_arithmetic3A = arith.constant 3 : i32
    %shift_right_arithmetic3A_3 = vector.broadcast %shift_right_arithmetic3A : i32 to vector<16xi32>
    %shift_right_arithmetic3A_4 = arith.shrsi %iota3A, %shift_right_arithmetic3A_3 : vector<16xi32>
    %and3A = arith.constant 7 : i32
    %and3A_5 = vector.broadcast %and3A : i32 to vector<16xi32>
    %and3A_6 = arith.andi %iota3A, %and3A_5 : vector<16xi32>
    %add3A_7 = arith.constant 64 : i32
    %add3A_8 = vector.broadcast %add3A_7 : i32 to vector<16xi32>
    %add3A_9 = arith.addi %add3A_8, %and3A_6 : vector<16xi32>
    %broadcast_in_dim3A = arith.constant 0.000000e+00 : f32
    %broadcast_in_dim3A_10 = vector.broadcast %broadcast_in_dim3A : f32 to vector<16xf32>
    %add3A_11 = arith.constant 64 : i32
    %add3A_12 = vector.broadcast %add3A_11 : i32 to vector<16xi32>
    %add3A_13 = arith.addi %add3A_12, %shift_right_arithmetic3A_4 : vector<16xi32>
    %add3A_14 = arith.constant 66 : i32
    %add3A_15 = vector.broadcast %add3A_14 : i32 to vector<16xi32>
    %add3A_16 = arith.addi %add3A_15, %shift_right_arithmetic3A_4 : vector<16xi32>
    %add3A_17 = arith.constant 68 : i32
    %add3A_18 = vector.broadcast %add3A_17 : i32 to vector<16xi32>
    %add3A_19 = arith.addi %add3A_18, %shift_right_arithmetic3A_4 : vector<16xi32>
    %add3A_20 = arith.constant 70 : i32
    %add3A_21 = vector.broadcast %add3A_20 : i32 to vector<16xi32>
    %add3A_22 = arith.addi %add3A_21, %shift_right_arithmetic3A_4 : vector<16xi32>
    %scan3A = arith.constant 0 : i32
    %scan3A_23 = arith.constant 128 : i32
    %scan3A_24 = arith.addi %scan3A, %scan3A_23 : i32
    %scan3A_25 = arith.constant 1 : i32
    scf.for %scan3A_37 = %scan3A to %scan3A_24 step %scan3A_25  : i32 {
      %mul3A_38 = arith.constant 1 : i32
      %mul3A_39 = arith.muli %scan3A_37, %mul3A_38 : i32
      %add3A_40 = arith.constant 0 : i32
      %add3A_41 = arith.addi %add3A_40, %mul3A_39 : i32
      %swap3A = arith.index_cast %add3A_41 : i32 to index
      %swap3A_42 = arith.constant 64 : index
      %swap3A_43 = tpu.vector_load %arg14[%swap3A, %swap3A_42] {strides = array<i32>} : memref<128x80xf32, #tpu.memory_space<vmem>>, vector<16xf32>,
      tpu.vector_store %arg14[%swap3A, %swap3A_42], %broadcast_in_dim3A_10 {strides = array<i32>} : memref<128x80xf32, #tpu.memory_space<vmem>>, vector<16xf32>,
      %swap3A_44 = arith.index_cast %add3A_41 : i32 to index
      %swap3A_45 = arith.constant 64 : index
      %swap3A_46 = tpu.vector_load %arg15[%swap3A_44, %swap3A_45] {strides = array<i32>} : memref<128x80xf32, #tpu.memory_space<vmem>>, vector<16xf32>,
      tpu.vector_store %arg15[%swap3A_44, %swap3A_45], %broadcast_in_dim3A_10 {strides = array<i32>} : memref<128x80xf32, #tpu.memory_space<vmem>>, vector<16xf32>,
    }
    %scan3A_26 = arith.constant 128 : i32
    %barrier3A = arith.constant 0 : index
    tpu.barrier barrier_id(%barrier3A)
    %scan3A_27 = arith.constant 0 : i32
    %scan3A_28 = arith.constant 81 : i32
    %scan3A_29 = arith.addi %scan3A_27, %scan3A_28 : i32
    %scan3A_30 = arith.constant 1 : i32
    scf.for %scan3A_37 = %scan3A_27 to %scan3A_29 step %scan3A_30  : i32 {
      %mul3A_38 = arith.constant 1 : i32
      %mul3A_39 = arith.muli %scan3A_37, %mul3A_38 : i32
      %add3A_40 = arith.constant 0 : i32
      %add3A_41 = arith.addi %add3A_40, %mul3A_39 : i32
      %dma_start3A = arith.constant 0 : i32
      %dma_start3A_42 = tpu.memref_slice %arg8[%add3A_41, %dma_start3A] : memref<81x128xi32, #tpu.memory_space<vmem>> -> memref<1x128xi32, #tpu.memory_space<vmem>>
      %dma_start3A_43 = tpu.memref_squeeze %dma_start3A_42 : memref<1x128xi32, #tpu.memory_space<vmem>> -> memref<128xi32, #tpu.memory_space<vmem>>
      %dma_start3A_44 = arith.constant 0 : i32
      %dma_start3A_45 = arith.constant 0 : i32
      %dma_start3A_46 = tpu.memref_slice %arg2[%dma_start3A_44, %dma_start3A_45] : memref<10240x80xf32, #tpu.memory_space<hbm>> -> memref<10240x80xf32, #tpu.memory_space<hbm>>
      tpu.enqueue_indirect_dma source(%dma_start3A_46 : memref<10240x80xf32, #tpu.memory_space<hbm>>) target(%arg10 : memref<128x80xf32, #tpu.memory_space<vmem>>) offsets(%dma_start3A_43 : memref<128xi32, #tpu.memory_space<vmem>>) semaphore(%arg17 : memref<!tpu.dma_semaphore, #tpu.memory_space<semaphore_mem>>)
      %dma_start3A_47 = arith.constant 0 : i32
      %dma_start3A_48 = tpu.memref_slice %arg9[%add3A_41, %dma_start3A_47] : memref<81x128xi32, #tpu.memory_space<vmem>> -> memref<1x128xi32, #tpu.memory_space<vmem>>
      %dma_start3A_49 = tpu.memref_squeeze %dma_start3A_48 : memref<1x128xi32, #tpu.memory_space<vmem>> -> memref<128xi32, #tpu.memory_space<vmem>>
      %dma_start3A_50 = arith.constant 0 : i32
      %dma_start3A_51 = arith.constant 0 : i32
      %dma_start3A_52 = tpu.memref_slice %arg3[%dma_start3A_50, %dma_start3A_51] : memref<10240x16xf32, #tpu.memory_space<hbm>> -> memref<10240x16xf32, #tpu.memory_space<hbm>>
      tpu.enqueue_indirect_dma source(%dma_start3A_52 : memref<10240x16xf32, #tpu.memory_space<hbm>>) target(%arg12 : memref<128x16xf32, #tpu.memory_space<vmem>>) offsets(%dma_start3A_49 : memref<128xi32, #tpu.memory_space<vmem>>) semaphore(%arg19 : memref<!tpu.dma_semaphore, #tpu.memory_space<semaphore_mem>>)
      %dma_wait3A = arith.constant 0 : i32
      %dma_wait3A_53 = tpu.memref_slice %arg8[%add3A_41, %dma_wait3A] : memref<81x128xi32, #tpu.memory_space<vmem>> -> memref<1x128xi32, #tpu.memory_space<vmem>>
      %dma_wait3A_54 = tpu.memref_squeeze %dma_wait3A_53 : memref<1x128xi32, #tpu.memory_space<vmem>> -> memref<128xi32, #tpu.memory_space<vmem>>
      %dma_wait3A_55 = arith.constant 0 : i32
      %dma_wait3A_56 = arith.constant 0 : i32
      %dma_wait3A_57 = tpu.memref_slice %arg2[%dma_wait3A_55, %dma_wait3A_56] : memref<10240x80xf32, #tpu.memory_space<hbm>> -> memref<10240x80xf32, #tpu.memory_space<hbm>>
      tpu.wait_indirect_dma semaphore(%arg17 : memref<!tpu.dma_semaphore, #tpu.memory_space<semaphore_mem>>) src(%dma_wait3A_57 : memref<10240x80xf32, #tpu.memory_space<hbm>>) dst(%arg10 : memref<128x80xf32, #tpu.memory_space<vmem>>)
      %dma_wait3A_58 = arith.constant 0 : i32
      %dma_wait3A_59 = tpu.memref_slice %arg9[%add3A_41, %dma_wait3A_58] : memref<81x128xi32, #tpu.memory_space<vmem>> -> memref<1x128xi32, #tpu.memory_space<vmem>>
      %dma_wait3A_60 = tpu.memref_squeeze %dma_wait3A_59 : memref<1x128xi32, #tpu.memory_space<vmem>> -> memref<128xi32, #tpu.memory_space<vmem>>
      %dma_wait3A_61 = arith.constant 0 : i32
      %dma_wait3A_62 = arith.constant 0 : i32
      %dma_wait3A_63 = tpu.memref_slice %arg3[%dma_wait3A_61, %dma_wait3A_62] : memref<10240x16xf32, #tpu.memory_space<hbm>> -> memref<10240x16xf32, #tpu.memory_space<hbm>>
      tpu.wait_indirect_dma semaphore(%arg19 : memref<!tpu.dma_semaphore, #tpu.memory_space<semaphore_mem>>) src(%dma_wait3A_63 : memref<10240x16xf32, #tpu.memory_space<hbm>>) dst(%arg12 : memref<128x16xf32, #tpu.memory_space<vmem>>)
      %scan3A_64 = arith.constant 0 : i32
      %scan3A_65 = arith.constant 64 : i32
      %scan3A_66 = arith.addi %scan3A_64, %scan3A_65 : i32
      %scan3A_67 = arith.constant 1 : i32
      scf.for %scan3A_69 = %scan3A_64 to %scan3A_66 step %scan3A_67  : i32 {
        %mul3A_70 = arith.constant 2 : i32
        %mul3A_71 = arith.muli %scan3A_69, %mul3A_70 : i32
        %add3A_72 = arith.constant 0 : i32
        %add3A_73 = arith.addi %add3A_72, %mul3A_71 : i32
        %add3A_74 = vector.broadcast %add3A_73 : i32 to vector<16xi32>
        %add3A_75 = arith.addi %shift_right_arithmetic3A_4, %add3A_74 : vector<16xi32>
        %gather3A = tpu.vector_load_idx %arg10[%add3A_75, %add3A_9] : memref<128x80xf32, #tpu.memory_space<vmem>>[vector<16xi32>, vector<16xi32>], vector<16xf32>,
        %gather3A_76 = tpu.vector_load_idx %arg12[%add3A_75, %and3A_6] : memref<128x16xf32, #tpu.memory_space<vmem>>[vector<16xi32>, vector<16xi32>], vector<16xf32>,
        %add3A_77 = arith.addf %gather3A, %gather3A_76 : vector<16xf32>
        %mul3A_78 = arith.constant 1.44269502 : f32
        %mul3A_79 = vector.broadcast %mul3A_78 : f32 to vector<16xf32>
        %mul3A_80 = arith.mulf %add3A_77, %mul3A_79 : vector<16xf32>
        %mul3A_81 = arith.constant 2.000000e-01 : f32
        %mul3A_82 = vector.broadcast %mul3A_81 : f32 to vector<16xf32>
        %mul3A_83 = arith.mulf %mul3A_80, %mul3A_82 : vector<16xf32>
        %max3A = arith.maximumf %mul3A_80, %mul3A_83 : vector<16xf32>
        %add3A_84 = arith.constant 5.000000e-01 : f32
        %add3A_85 = vector.broadcast %add3A_84 : f32 to vector<16xf32>
        %add3A_86 = arith.addf %max3A, %add3A_85 : vector<16xf32>
        %convert_element_type3A = arith.fptosi %add3A_86 : vector<16xf32> to vector<16xi32>
        %convert_element_type3A_87 = arith.sitofp %convert_element_type3A : vector<16xi32> to vector<16xf32>
        %lt3A = arith.cmpf olt, %add3A_86, %convert_element_type3A_87 : vector<16xf32>
        %jit3A = arith.constant 1.000000e+00 : f32
        %jit3A_88 = arith.constant 0.000000e+00 : f32
        %broadcast_in_dim3A_89 = vector.broadcast %jit3A : f32 to vector<16xf32>
        %broadcast_in_dim3A_90 = vector.broadcast %jit3A_88 : f32 to vector<16xf32>
        %select_n3A = arith.select %lt3A, %broadcast_in_dim3A_89, %broadcast_in_dim3A_90 : vector<16xi1>, vector<16xf32>
        %sub3A = arith.subf %convert_element_type3A_87, %select_n3A : vector<16xf32>
        %sub3A_91 = arith.subf %max3A, %sub3A : vector<16xf32>
        %mul3A_92 = arith.constant 0.693147182 : f32
        %mul3A_93 = vector.broadcast %mul3A_92 : f32 to vector<16xf32>
        %mul3A_94 = arith.mulf %sub3A_91, %mul3A_93 : vector<16xf32>
        %mul3A_95 = arith.constant 0.00138888892 : f32
        %mul3A_96 = vector.broadcast %mul3A_95 : f32 to vector<16xf32>
        %mul3A_97 = arith.mulf %mul3A_94, %mul3A_96 : vector<16xf32>
        %add3A_98 = arith.constant 0.00833333377 : f32
        %add3A_99 = vector.broadcast %add3A_98 : f32 to vector<16xf32>
        %add3A_100 = arith.addf %add3A_99, %mul3A_97 : vector<16xf32>
        %mul3A_101 = arith.mulf %mul3A_94, %add3A_100 : vector<16xf32>
        %add3A_102 = arith.constant 0.0416666679 : f32
        %add3A_103 = vector.broadcast %add3A_102 : f32 to vector<16xf32>
        %add3A_104 = arith.addf %add3A_103, %mul3A_101 : vector<16xf32>
        %mul3A_105 = arith.mulf %mul3A_94, %add3A_104 : vector<16xf32>
        %add3A_106 = arith.constant 0.166666672 : f32
        %add3A_107 = vector.broadcast %add3A_106 : f32 to vector<16xf32>
        %add3A_108 = arith.addf %add3A_107, %mul3A_105 : vector<16xf32>
        %mul3A_109 = arith.mulf %mul3A_94, %add3A_108 : vector<16xf32>
        %add3A_110 = arith.constant 5.000000e-01 : f32
        %add3A_111 = vector.broadcast %add3A_110 : f32 to vector<16xf32>
        %add3A_112 = arith.addf %add3A_111, %mul3A_109 : vector<16xf32>
        %mul3A_113 = arith.mulf %mul3A_94, %add3A_112 : vector<16xf32>
        %add3A_114 = arith.constant 1.000000e+00 : f32
        %add3A_115 = vector.broadcast %add3A_114 : f32 to vector<16xf32>
        %add3A_116 = arith.addf %add3A_115, %mul3A_113 : vector<16xf32>
        %mul3A_117 = arith.mulf %mul3A_94, %add3A_116 : vector<16xf32>
        %add3A_118 = arith.constant 1.000000e+00 : f32
        %add3A_119 = vector.broadcast %add3A_118 : f32 to vector<16xf32>
        %add3A_120 = arith.addf %add3A_119, %mul3A_117 : vector<16xf32>
        %sub3A_121 = arith.constant 1 : i32
        %sub3A_122 = vector.broadcast %sub3A_121 : i32 to vector<16xi32>
        %sub3A_123 = arith.subi %convert_element_type3A, %sub3A_122 : vector<16xi32>
        %select_n3A_124 = arith.select %lt3A, %sub3A_123, %convert_element_type3A : vector<16xi1>, vector<16xi32>
        %jit3A_125 = arith.constant -126 : i32
        %jit3A_126 = arith.constant 127 : i32
        %max3A_127 = vector.broadcast %jit3A_125 : i32 to vector<16xi32>
        %max3A_128 = arith.maxsi %max3A_127, %select_n3A_124 : vector<16xi32>
        %min3A = vector.broadcast %jit3A_126 : i32 to vector<16xi32>
        %min3A_129 = arith.minsi %min3A, %max3A_128 : vector<16xi32>
        %add3A_130 = arith.constant 127 : i32
        %add3A_131 = vector.broadcast %add3A_130 : i32 to vector<16xi32>
        %add3A_132 = arith.addi %min3A_129, %add3A_131 : vector<16xi32>
        %shift_left3A = arith.constant 23 : i32
        %shift_left3A_133 = vector.broadcast %shift_left3A : i32 to vector<16xi32>
        %shift_left3A_134 = arith.shli %add3A_132, %shift_left3A_133 : vector<16xi32>
        %bitcast3A = vector.bitcast %shift_left3A_134 : vector<16xi32> to vector<16xf32>
        %mul3A_135 = arith.mulf %add3A_120, %bitcast3A : vector<16xf32>
        tpu.vector_store_idx %arg14[%add3A_75, %add3A_9], %mul3A_135 : memref<128x80xf32, #tpu.memory_space<vmem>>[vector<16xi32>, vector<16xi32>], vector<16xf32>,
        %add3A_136 = arith.constant 0 : i32
        %add3A_137 = arith.addi %add3A_73, %add3A_136 : i32
        %broadcast_in_dim3A_138 = vector.broadcast %add3A_137 : i32 to vector<16xi32>
        %gather3A_139 = tpu.vector_load_idx %arg14[%broadcast_in_dim3A_138, %add3A_13] : memref<128x80xf32, #tpu.memory_space<vmem>>[vector<16xi32>, vector<16xi32>], vector<16xf32>,
        %add3A_140 = arith.constant 0 : i32
        %add3A_141 = arith.addi %add3A_73, %add3A_140 : i32
        %get3A = arith.index_cast %add3A_141 : i32 to index
        %get3A_142 = arith.constant 0 : index
        %get3A_143 = tpu.vector_load %arg10[%get3A, %get3A_142] {strides = array<i32>} : memref<128x80xf32, #tpu.memory_space<vmem>>, vector<16xf32>,
        %mul3A_144 = arith.mulf %get3A_143, %gather3A_139 : vector<16xf32>
        %add3A_145 = arith.constant 0 : i32
        %add3A_146 = arith.addi %add3A_73, %add3A_145 : i32
        %swap3A = arith.index_cast %add3A_146 : i32 to index
        %swap3A_147 = arith.constant 0 : index
        %swap3A_148 = tpu.vector_load %arg14[%swap3A, %swap3A_147] {strides = array<i32>} : memref<128x80xf32, #tpu.memory_space<vmem>>, vector<16xf32>,
        tpu.vector_store %arg14[%swap3A, %swap3A_147], %mul3A_144 {strides = array<i32>} : memref<128x80xf32, #tpu.memory_space<vmem>>, vector<16xf32>,
        %gather3A_149 = tpu.vector_load_idx %arg14[%broadcast_in_dim3A_138, %add3A_16] : memref<128x80xf32, #tpu.memory_space<vmem>>[vector<16xi32>, vector<16xi32>], vector<16xf32>,
        %add3A_150 = arith.constant 0 : i32
        %add3A_151 = arith.addi %add3A_73, %add3A_150 : i32
        %get3A_152 = arith.index_cast %add3A_151 : i32 to index
        %get3A_153 = arith.constant 16 : index
        %get3A_154 = tpu.vector_load %arg10[%get3A_152, %get3A_153] {strides = array<i32>} : memref<128x80xf32, #tpu.memory_space<vmem>>, vector<16xf32>,
        %mul3A_155 = arith.mulf %get3A_154, %gather3A_149 : vector<16xf32>
        %add3A_156 = arith.constant 0 : i32
        %add3A_157 = arith.addi %add3A_73, %add3A_156 : i32
        %swap3A_158 = arith.index_cast %add3A_157 : i32 to index
        %swap3A_159 = arith.constant 16 : index
        %swap3A_160 = tpu.vector_load %arg14[%swap3A_158, %swap3A_159] {strides = array<i32>} : memref<128x80xf32, #tpu.memory_space<vmem>>, vector<16xf32>,
        tpu.vector_store %arg14[%swap3A_158, %swap3A_159], %mul3A_155 {strides = array<i32>} : memref<128x80xf32, #tpu.memory_space<vmem>>, vector<16xf32>,
        %gather3A_161 = tpu.vector_load_idx %arg14[%broadcast_in_dim3A_138, %add3A_19] : memref<128x80xf32, #tpu.memory_space<vmem>>[vector<16xi32>, vector<16xi32>], vector<16xf32>,
        %add3A_162 = arith.constant 0 : i32
        %add3A_163 = arith.addi %add3A_73, %add3A_162 : i32
        %get3A_164 = arith.index_cast %add3A_163 : i32 to index
        %get3A_165 = arith.constant 32 : index
        %get3A_166 = tpu.vector_load %arg10[%get3A_164, %get3A_165] {strides = array<i32>} : memref<128x80xf32, #tpu.memory_space<vmem>>, vector<16xf32>,
        %mul3A_167 = arith.mulf %get3A_166, %gather3A_161 : vector<16xf32>
        %add3A_168 = arith.constant 0 : i32
        %add3A_169 = arith.addi %add3A_73, %add3A_168 : i32
        %swap3A_170 = arith.index_cast %add3A_169 : i32 to index
        %swap3A_171 = arith.constant 32 : index
        %swap3A_172 = tpu.vector_load %arg14[%swap3A_170, %swap3A_171] {strides = array<i32>} : memref<128x80xf32, #tpu.memory_space<vmem>>, vector<16xf32>,
        tpu.vector_store %arg14[%swap3A_170, %swap3A_171], %mul3A_167 {strides = array<i32>} : memref<128x80xf32, #tpu.memory_space<vmem>>, vector<16xf32>,
        %gather3A_173 = tpu.vector_load_idx %arg14[%broadcast_in_dim3A_138, %add3A_22] : memref<128x80xf32, #tpu.memory_space<vmem>>[vector<16xi32>, vector<16xi32>], vector<16xf32>,
        %add3A_174 = arith.constant 0 : i32
        %add3A_175 = arith.addi %add3A_73, %add3A_174 : i32
        %get3A_176 = arith.index_cast %add3A_175 : i32 to index
        %get3A_177 = arith.constant 48 : index
        %get3A_178 = tpu.vector_load %arg10[%get3A_176, %get3A_177] {strides = array<i32>} : memref<128x80xf32, #tpu.memory_space<vmem>>, vector<16xf32>,
        %mul3A_179 = arith.mulf %get3A_178, %gather3A_173 : vector<16xf32>
        %add3A_180 = arith.constant 0 : i32
        %add3A_181 = arith.addi %add3A_73, %add3A_180 : i32
        %swap3A_182 = arith.index_cast %add3A_181 : i32 to index
        %swap3A_183 = arith.constant 48 : index
        %swap3A_184 = tpu.vector_load %arg14[%swap3A_182, %swap3A_183] {strides = array<i32>} : memref<128x80xf32, #tpu.memory_space<vmem>>, vector<16xf32>,
        tpu.vector_store %arg14[%swap3A_182, %swap3A_183], %mul3A_179 {strides = array<i32>} : memref<128x80xf32, #tpu.memory_space<vmem>>, vector<16xf32>,
        %add3A_185 = arith.constant 1 : i32
        %add3A_186 = arith.addi %add3A_73, %add3A_185 : i32
        %broadcast_in_dim3A_187 = vector.broadcast %add3A_186 : i32 to vector<16xi32>
        %gather3A_188 = tpu.vector_load_idx %arg14[%broadcast_in_dim3A_187, %add3A_13] : memref<128x80xf32, #tpu.memory_space<vmem>>[vector<16xi32>, vector<16xi32>], vector<16xf32>,
        %add3A_189 = arith.constant 1 : i32
        %add3A_190 = arith.addi %add3A_73, %add3A_189 : i32
        %get3A_191 = arith.index_cast %add3A_190 : i32 to index
        %get3A_192 = arith.constant 0 : index
        %get3A_193 = tpu.vector_load %arg10[%get3A_191, %get3A_192] {strides = array<i32>} : memref<128x80xf32, #tpu.memory_space<vmem>>, vector<16xf32>,
        %mul3A_194 = arith.mulf %get3A_193, %gather3A_188 : vector<16xf32>
        %add3A_195 = arith.constant 1 : i32
        %add3A_196 = arith.addi %add3A_73, %add3A_195 : i32
        %swap3A_197 = arith.index_cast %add3A_196 : i32 to index
        %swap3A_198 = arith.constant 0 : index
        %swap3A_199 = tpu.vector_load %arg14[%swap3A_197, %swap3A_198] {strides = array<i32>} : memref<128x80xf32, #tpu.memory_space<vmem>>, vector<16xf32>,
        tpu.vector_store %arg14[%swap3A_197, %swap3A_198], %mul3A_194 {strides = array<i32>} : memref<128x80xf32, #tpu.memory_space<vmem>>, vector<16xf32>,
        %gather3A_200 = tpu.vector_load_idx %arg14[%broadcast_in_dim3A_187, %add3A_16] : memref<128x80xf32, #tpu.memory_space<vmem>>[vector<16xi32>, vector<16xi32>], vector<16xf32>,
        %add3A_201 = arith.constant 1 : i32
        %add3A_202 = arith.addi %add3A_73, %add3A_201 : i32
        %get3A_203 = arith.index_cast %add3A_202 : i32 to index
        %get3A_204 = arith.constant 16 : index
        %get3A_205 = tpu.vector_load %arg10[%get3A_203, %get3A_204] {strides = array<i32>} : memref<128x80xf32, #tpu.memory_space<vmem>>, vector<16xf32>,
        %mul3A_206 = arith.mulf %get3A_205, %gather3A_200 : vector<16xf32>
        %add3A_207 = arith.constant 1 : i32
        %add3A_208 = arith.addi %add3A_73, %add3A_207 : i32
        %swap3A_209 = arith.index_cast %add3A_208 : i32 to index
        %swap3A_210 = arith.constant 16 : index
        %swap3A_211 = tpu.vector_load %arg14[%swap3A_209, %swap3A_210] {strides = array<i32>} : memref<128x80xf32, #tpu.memory_space<vmem>>, vector<16xf32>,
        tpu.vector_store %arg14[%swap3A_209, %swap3A_210], %mul3A_206 {strides = array<i32>} : memref<128x80xf32, #tpu.memory_space<vmem>>, vector<16xf32>,
        %gather3A_212 = tpu.vector_load_idx %arg14[%broadcast_in_dim3A_187, %add3A_19] : memref<128x80xf32, #tpu.memory_space<vmem>>[vector<16xi32>, vector<16xi32>], vector<16xf32>,
        %add3A_213 = arith.constant 1 : i32
        %add3A_214 = arith.addi %add3A_73, %add3A_213 : i32
        %get3A_215 = arith.index_cast %add3A_214 : i32 to index
        %get3A_216 = arith.constant 32 : index
        %get3A_217 = tpu.vector_load %arg10[%get3A_215, %get3A_216] {strides = array<i32>} : memref<128x80xf32, #tpu.memory_space<vmem>>, vector<16xf32>,
        %mul3A_218 = arith.mulf %get3A_217, %gather3A_212 : vector<16xf32>
        %add3A_219 = arith.constant 1 : i32
        %add3A_220 = arith.addi %add3A_73, %add3A_219 : i32
        %swap3A_221 = arith.index_cast %add3A_220 : i32 to index
        %swap3A_222 = arith.constant 32 : index
        %swap3A_223 = tpu.vector_load %arg14[%swap3A_221, %swap3A_222] {strides = array<i32>} : memref<128x80xf32, #tpu.memory_space<vmem>>, vector<16xf32>,
        tpu.vector_store %arg14[%swap3A_221, %swap3A_222], %mul3A_218 {strides = array<i32>} : memref<128x80xf32, #tpu.memory_space<vmem>>, vector<16xf32>,
        %gather3A_224 = tpu.vector_load_idx %arg14[%broadcast_in_dim3A_187, %add3A_22] : memref<128x80xf32, #tpu.memory_space<vmem>>[vector<16xi32>, vector<16xi32>], vector<16xf32>,
        %add3A_225 = arith.constant 1 : i32
        %add3A_226 = arith.addi %add3A_73, %add3A_225 : i32
        %get3A_227 = arith.index_cast %add3A_226 : i32 to index
        %get3A_228 = arith.constant 48 : index
        %get3A_229 = tpu.vector_load %arg10[%get3A_227, %get3A_228] {strides = array<i32>} : memref<128x80xf32, #tpu.memory_space<vmem>>, vector<16xf32>,
        %mul3A_230 = arith.mulf %get3A_229, %gather3A_224 : vector<16xf32>
        %add3A_231 = arith.constant 1 : i32
        %add3A_232 = arith.addi %add3A_73, %add3A_231 : i32
        %swap3A_233 = arith.index_cast %add3A_232 : i32 to index
        %swap3A_234 = arith.constant 48 : index
        %swap3A_235 = tpu.vector_load %arg14[%swap3A_233, %swap3A_234] {strides = array<i32>} : memref<128x80xf32, #tpu.memory_space<vmem>>, vector<16xf32>,
        tpu.vector_store %arg14[%swap3A_233, %swap3A_234], %mul3A_230 {strides = array<i32>} : memref<128x80xf32, #tpu.memory_space<vmem>>, vector<16xf32>,
      }
      %scan3A_68 = arith.constant 64 : i32
      "tpu.region"() ({
        %run_scoped3A = tpu.sem_alloc : memref<!tpu.dma_semaphore, #tpu.memory_space<semaphore_mem>>
        %dma_start3A_69 = arith.constant 0 : i32
        %dma_start3A_70 = tpu.memref_slice %arg9[%add3A_41, %dma_start3A_69] : memref<81x128xi32, #tpu.memory_space<vmem>> -> memref<1x128xi32, #tpu.memory_space<vmem>>
        %dma_start3A_71 = tpu.memref_squeeze %dma_start3A_70 : memref<1x128xi32, #tpu.memory_space<vmem>> -> memref<128xi32, #tpu.memory_space<vmem>>
        %dma_start3A_72 = arith.constant 0 : i32
        %dma_start3A_73 = arith.constant 0 : i32
        %dma_start3A_74 = tpu.memref_slice %arg16[%dma_start3A_72, %dma_start3A_73] : memref<10240x80xf32, #tpu.memory_space<vmem_shared>> -> memref<10240x80xf32, #tpu.memory_space<vmem_shared>>
        tpu.enqueue_indirect_dma source(%arg14 : memref<128x80xf32, #tpu.memory_space<vmem>>) target(%dma_start3A_74 : memref<10240x80xf32, #tpu.memory_space<vmem_shared>>) offsets(%dma_start3A_71 : memref<128xi32, #tpu.memory_space<vmem>>) semaphore(%run_scoped3A : memref<!tpu.dma_semaphore, #tpu.memory_space<semaphore_mem>>) {add = true}
        %dma_wait3A_75 = arith.constant 0 : i32
        %dma_wait3A_76 = tpu.memref_slice %arg9[%add3A_41, %dma_wait3A_75] : memref<81x128xi32, #tpu.memory_space<vmem>> -> memref<1x128xi32, #tpu.memory_space<vmem>>
        %dma_wait3A_77 = tpu.memref_squeeze %dma_wait3A_76 : memref<1x128xi32, #tpu.memory_space<vmem>> -> memref<128xi32, #tpu.memory_space<vmem>>
        %dma_wait3A_78 = arith.constant 0 : i32
        %dma_wait3A_79 = arith.constant 0 : i32
        %dma_wait3A_80 = tpu.memref_slice %arg16[%dma_wait3A_78, %dma_wait3A_79] : memref<10240x80xf32, #tpu.memory_space<vmem_shared>> -> memref<10240x80xf32, #tpu.memory_space<vmem_shared>>
        tpu.wait_indirect_dma semaphore(%run_scoped3A : memref<!tpu.dma_semaphore, #tpu.memory_space<semaphore_mem>>) src(%arg14 : memref<128x80xf32, #tpu.memory_space<vmem>>) dst(%dma_wait3A_80 : memref<10240x80xf32, #tpu.memory_space<vmem_shared>>)
        tpu.yield
      }) : () -> ()
    }
    %scan3A_31 = arith.constant 81 : i32
    %barrier3A_32 = arith.constant 0 : index
    tpu.barrier barrier_id(%barrier3A_32)
    %mul3A_33 = arith.constant 640 : i32
    %mul3A_34 = arith.muli %arg1, %mul3A_33 : i32
    %mul3A_35 = arith.constant 640 : i32
    %mul3A_36 = arith.muli %arg1, %mul3A_35 : i32
    "tpu.region"() ({
      %run_scoped3A = tpu.sem_alloc : memref<!tpu.dma_semaphore, #tpu.memory_space<semaphore_mem>>
      %dma_start3A = arith.constant 0 : i32
      %dma_start3A_37 = arith.constant 0 : i32
      %dma_start3A_38 = tpu.memref_slice %arg7[%arg0, %dma_start3A, %dma_start3A_37] : memref<2x10240x80xf32, #tpu.memory_space<hbm>> -> memref<1x10240x80xf32, #tpu.memory_space<hbm>>
      %dma_start3A_39 = tpu.memref_squeeze %dma_start3A_38 : memref<1x10240x80xf32, #tpu.memory_space<hbm>> -> memref<10240x80xf32, #tpu.memory_space<hbm>>
      %dma_start3A_40 = arith.constant 0 : i32
      %dma_start3A_41 = tpu.memref_slice %dma_start3A_39[%mul3A_36, %dma_start3A_40] : memref<10240x80xf32, #tpu.memory_space<hbm>> -> memref<640x80xf32, #tpu.memory_space<hbm>>
      %dma_start3A_42 = arith.constant 0 : i32
      %dma_start3A_43 = tpu.memref_slice %arg16[%mul3A_34, %dma_start3A_42] : memref<10240x80xf32, #tpu.memory_space<vmem_shared>> -> memref<640x80xf32, #tpu.memory_space<vmem_shared>>
      tpu.enqueue_dma source(%dma_start3A_43 : memref<640x80xf32, #tpu.memory_space<vmem_shared>>) target(%dma_start3A_41 : memref<640x80xf32, #tpu.memory_space<hbm>>) target_semaphore(%run_scoped3A : memref<!tpu.dma_semaphore, #tpu.memory_space<semaphore_mem>>)
      %dma_wait3A = arith.constant 0 : i32
      %dma_wait3A_44 = arith.constant 0 : i32
      %dma_wait3A_45 = tpu.memref_slice %arg7[%arg0, %dma_wait3A, %dma_wait3A_44] : memref<2x10240x80xf32, #tpu.memory_space<hbm>> -> memref<1x10240x80xf32, #tpu.memory_space<hbm>>
      %dma_wait3A_46 = tpu.memref_squeeze %dma_wait3A_45 : memref<1x10240x80xf32, #tpu.memory_space<hbm>> -> memref<10240x80xf32, #tpu.memory_space<hbm>>
      %dma_wait3A_47 = arith.constant 0 : i32
      %dma_wait3A_48 = tpu.memref_slice %dma_wait3A_46[%mul3A_36, %dma_wait3A_47] : memref<10240x80xf32, #tpu.memory_space<hbm>> -> memref<640x80xf32, #tpu.memory_space<hbm>>
      %dma_wait3A_49 = arith.constant 0 : i32
      %dma_wait3A_50 = tpu.memref_slice %arg16[%mul3A_34, %dma_wait3A_49] : memref<10240x80xf32, #tpu.memory_space<vmem_shared>> -> memref<640x80xf32, #tpu.memory_space<vmem_shared>>
      tpu.wait_dma2 semaphore(%run_scoped3A : memref<!tpu.dma_semaphore, #tpu.memory_space<semaphore_mem>>) src(%dma_wait3A_50 : memref<640x80xf32, #tpu.memory_space<vmem_shared>>) dst(%dma_wait3A_48 : memref<640x80xf32, #tpu.memory_space<hbm>>)
      tpu.yield
    }) : () -> ()
    return
  }
}

#map = affine_map<(d0, d1) -> (0, 0)>
#map1 = affine_map<(d0, d1) -> (0, 0, 0)>
module attributes {stable_mosaic.version = 14 : i64} {
  func.func @_edge_pass_body(%arg0: i32, %arg1: i32, %arg2: memref<10240x80xf32, #tpu.memory_space<hbm>>, %arg3: memref<10240x16xf32, #tpu.memory_space<hbm>>, %arg4: memref<32x81x128xi32, #tpu.memory_space<hbm>>, %arg5: memref<32x81x128xi32, #tpu.memory_space<hbm>>, %arg6: memref<640x80xf32, #tpu.memory_space<hbm>>, %arg7: memref<2x10240x80xf32, #tpu.memory_space<hbm>>, %arg8: memref<81x128xi32, #tpu.memory_space<vmem>>, %arg9: memref<81x128xi32, #tpu.memory_space<vmem>>, %arg10: memref<128x80xf32, #tpu.memory_space<vmem>>, %arg11: memref<128x80xf32, #tpu.memory_space<vmem>>, %arg12: memref<128x16xf32, #tpu.memory_space<vmem>>, %arg13: memref<128x16xf32, #tpu.memory_space<vmem>>, %arg14: memref<128x80xf32, #tpu.memory_space<vmem>>, %arg15: memref<128x80xf32, #tpu.memory_space<vmem>>, %arg16: memref<10240x80xf32, #tpu.memory_space<vmem_shared>>, %arg17: memref<!tpu.dma_semaphore, #tpu.memory_space<semaphore_mem>>, %arg18: memref<!tpu.dma_semaphore, #tpu.memory_space<semaphore_mem>>, %arg19: memref<!tpu.dma_semaphore, #tpu.memory_space<semaphore_mem>>, %arg20: memref<!tpu.dma_semaphore, #tpu.memory_space<semaphore_mem>>) attributes {dimension_semantics = [#tpu.dimension_semantics<core_parallel>, #tpu.dimension_semantics<subcore_parallel>], iteration_bounds = array<i64: 2, 16>, scalar_prefetch = 0 : i64, scratch_operands = 13 : i64, tpu.core_type = #tpu.core_type<sc_vector_subcore>, window_params = [{transform_indices = #map}, {transform_indices = #map}, {transform_indices = #map1}, {transform_indices = #map1}, {transform_indices = #map}, {transform_indices = #map1}]} {
    %mul3A = arith.constant 640 : i32
    %mul3A_0 = arith.muli %arg1, %mul3A : i32
    "tpu.region"() ({
      %run_scoped3A = tpu.sem_alloc : memref<!tpu.dma_semaphore, #tpu.memory_space<semaphore_mem>>
      %dma_start3A = arith.constant 0 : i32
      %dma_start3A_37 = tpu.memref_slice %arg16[%mul3A_0, %dma_start3A] : memref<10240x80xf32, #tpu.memory_space<vmem_shared>> -> memref<640x80xf32, #tpu.memory_space<vmem_shared>>
      tpu.enqueue_dma source(%arg6 : memref<640x80xf32, #tpu.memory_space<hbm>>) target(%dma_start3A_37 : memref<640x80xf32, #tpu.memory_space<vmem_shared>>) target_semaphore(%run_scoped3A : memref<!tpu.dma_semaphore, #tpu.memory_space<semaphore_mem>>)
      %dma_wait3A = arith.constant 0 : i32
      %dma_wait3A_38 = tpu.memref_slice %arg16[%mul3A_0, %dma_wait3A] : memref<10240x80xf32, #tpu.memory_space<vmem_shared>> -> memref<640x80xf32, #tpu.memory_space<vmem_shared>>
      tpu.wait_dma2 semaphore(%run_scoped3A : memref<!tpu.dma_semaphore, #tpu.memory_space<semaphore_mem>>) src(%arg6 : memref<640x80xf32, #tpu.memory_space<hbm>>) dst(%dma_wait3A_38 : memref<640x80xf32, #tpu.memory_space<vmem_shared>>)
      tpu.yield
    }) : () -> ()
    %mul3A_1 = arith.constant 2 : i32
    %mul3A_2 = arith.muli %arg1, %mul3A_1 : i32
    %add3A = arith.addi %mul3A_2, %arg0 : i32
    "tpu.region"() ({
      %run_scoped3A = tpu.sem_alloc : memref<!tpu.dma_semaphore, #tpu.memory_space<semaphore_mem>>
      %dma_start3A = arith.constant 0 : i32
      %dma_start3A_37 = arith.constant 0 : i32
      %dma_start3A_38 = tpu.memref_slice %arg4[%add3A, %dma_start3A, %dma_start3A_37] : memref<32x81x128xi32, #tpu.memory_space<hbm>> -> memref<1x81x128xi32, #tpu.memory_space<hbm>>
      %dma_start3A_39 = tpu.memref_squeeze %dma_start3A_38 : memref<1x81x128xi32, #tpu.memory_space<hbm>> -> memref<81x128xi32, #tpu.memory_space<hbm>>
      %dma_start3A_40 = arith.constant 0 : i32
      %dma_start3A_41 = arith.constant 0 : i32
      %dma_start3A_42 = tpu.memref_slice %arg4[%add3A, %dma_start3A_40, %dma_start3A_41] : memref<32x81x128xi32, #tpu.memory_space<hbm>> -> memref<1x81x128xi32, #tpu.memory_space<hbm>>
      %dma_start3A_43 = tpu.memref_squeeze %dma_start3A_42 : memref<1x81x128xi32, #tpu.memory_space<hbm>> -> memref<81x128xi32, #tpu.memory_space<hbm>>
      tpu.enqueue_dma source(%dma_start3A_43 : memref<81x128xi32, #tpu.memory_space<hbm>>) target(%arg8 : memref<81x128xi32, #tpu.memory_space<vmem>>) target_semaphore(%run_scoped3A : memref<!tpu.dma_semaphore, #tpu.memory_space<semaphore_mem>>)
      %dma_wait3A = arith.constant 0 : i32
      %dma_wait3A_44 = arith.constant 0 : i32
      %dma_wait3A_45 = tpu.memref_slice %arg4[%add3A, %dma_wait3A, %dma_wait3A_44] : memref<32x81x128xi32, #tpu.memory_space<hbm>> -> memref<1x81x128xi32, #tpu.memory_space<hbm>>
      %dma_wait3A_46 = tpu.memref_squeeze %dma_wait3A_45 : memref<1x81x128xi32, #tpu.memory_space<hbm>> -> memref<81x128xi32, #tpu.memory_space<hbm>>
      %dma_wait3A_47 = arith.constant 0 : i32
      %dma_wait3A_48 = arith.constant 0 : i32
      %dma_wait3A_49 = tpu.memref_slice %arg4[%add3A, %dma_wait3A_47, %dma_wait3A_48] : memref<32x81x128xi32, #tpu.memory_space<hbm>> -> memref<1x81x128xi32, #tpu.memory_space<hbm>>
      %dma_wait3A_50 = tpu.memref_squeeze %dma_wait3A_49 : memref<1x81x128xi32, #tpu.memory_space<hbm>> -> memref<81x128xi32, #tpu.memory_space<hbm>>
      tpu.wait_dma2 semaphore(%run_scoped3A : memref<!tpu.dma_semaphore, #tpu.memory_space<semaphore_mem>>) src(%dma_wait3A_50 : memref<81x128xi32, #tpu.memory_space<hbm>>) dst(%arg8 : memref<81x128xi32, #tpu.memory_space<vmem>>)
      tpu.yield
    }) : () -> ()
    "tpu.region"() ({
      %run_scoped3A = tpu.sem_alloc : memref<!tpu.dma_semaphore, #tpu.memory_space<semaphore_mem>>
      %dma_start3A = arith.constant 0 : i32
      %dma_start3A_37 = arith.constant 0 : i32
      %dma_start3A_38 = tpu.memref_slice %arg5[%add3A, %dma_start3A, %dma_start3A_37] : memref<32x81x128xi32, #tpu.memory_space<hbm>> -> memref<1x81x128xi32, #tpu.memory_space<hbm>>
      %dma_start3A_39 = tpu.memref_squeeze %dma_start3A_38 : memref<1x81x128xi32, #tpu.memory_space<hbm>> -> memref<81x128xi32, #tpu.memory_space<hbm>>
      %dma_start3A_40 = arith.constant 0 : i32
      %dma_start3A_41 = arith.constant 0 : i32
      %dma_start3A_42 = tpu.memref_slice %arg5[%add3A, %dma_start3A_40, %dma_start3A_41] : memref<32x81x128xi32, #tpu.memory_space<hbm>> -> memref<1x81x128xi32, #tpu.memory_space<hbm>>
      %dma_start3A_43 = tpu.memref_squeeze %dma_start3A_42 : memref<1x81x128xi32, #tpu.memory_space<hbm>> -> memref<81x128xi32, #tpu.memory_space<hbm>>
      tpu.enqueue_dma source(%dma_start3A_43 : memref<81x128xi32, #tpu.memory_space<hbm>>) target(%arg9 : memref<81x128xi32, #tpu.memory_space<vmem>>) target_semaphore(%run_scoped3A : memref<!tpu.dma_semaphore, #tpu.memory_space<semaphore_mem>>)
      %dma_wait3A = arith.constant 0 : i32
      %dma_wait3A_44 = arith.constant 0 : i32
      %dma_wait3A_45 = tpu.memref_slice %arg5[%add3A, %dma_wait3A, %dma_wait3A_44] : memref<32x81x128xi32, #tpu.memory_space<hbm>> -> memref<1x81x128xi32, #tpu.memory_space<hbm>>
      %dma_wait3A_46 = tpu.memref_squeeze %dma_wait3A_45 : memref<1x81x128xi32, #tpu.memory_space<hbm>> -> memref<81x128xi32, #tpu.memory_space<hbm>>
      %dma_wait3A_47 = arith.constant 0 : i32
      %dma_wait3A_48 = arith.constant 0 : i32
      %dma_wait3A_49 = tpu.memref_slice %arg5[%add3A, %dma_wait3A_47, %dma_wait3A_48] : memref<32x81x128xi32, #tpu.memory_space<hbm>> -> memref<1x81x128xi32, #tpu.memory_space<hbm>>
      %dma_wait3A_50 = tpu.memref_squeeze %dma_wait3A_49 : memref<1x81x128xi32, #tpu.memory_space<hbm>> -> memref<81x128xi32, #tpu.memory_space<hbm>>
      tpu.wait_dma2 semaphore(%run_scoped3A : memref<!tpu.dma_semaphore, #tpu.memory_space<semaphore_mem>>) src(%dma_wait3A_50 : memref<81x128xi32, #tpu.memory_space<hbm>>) dst(%arg9 : memref<81x128xi32, #tpu.memory_space<vmem>>)
      tpu.yield
    }) : () -> ()
    %iota3A = tpu.iota {dimensions = array<i32: 0>} : vector<16xi32>
    %shift_right_arithmetic3A = arith.constant 3 : i32
    %shift_right_arithmetic3A_3 = vector.broadcast %shift_right_arithmetic3A : i32 to vector<16xi32>
    %shift_right_arithmetic3A_4 = arith.shrsi %iota3A, %shift_right_arithmetic3A_3 : vector<16xi32>
    %and3A = arith.constant 7 : i32
    %and3A_5 = vector.broadcast %and3A : i32 to vector<16xi32>
    %and3A_6 = arith.andi %iota3A, %and3A_5 : vector<16xi32>
    %add3A_7 = arith.constant 64 : i32
    %add3A_8 = vector.broadcast %add3A_7 : i32 to vector<16xi32>
    %add3A_9 = arith.addi %add3A_8, %and3A_6 : vector<16xi32>
    %broadcast_in_dim3A = arith.constant 0.000000e+00 : f32
    %broadcast_in_dim3A_10 = vector.broadcast %broadcast_in_dim3A : f32 to vector<16xf32>
    %add3A_11 = arith.constant 64 : i32
    %add3A_12 = vector.broadcast %add3A_11 : i32 to vector<16xi32>
    %add3A_13 = arith.addi %add3A_12, %shift_right_arithmetic3A_4 : vector<16xi32>
    %add3A_14 = arith.constant 66 : i32
    %add3A_15 = vector.broadcast %add3A_14 : i32 to vector<16xi32>
    %add3A_16 = arith.addi %add3A_15, %shift_right_arithmetic3A_4 : vector<16xi32>
    %add3A_17 = arith.constant 68 : i32
    %add3A_18 = vector.broadcast %add3A_17 : i32 to vector<16xi32>
    %add3A_19 = arith.addi %add3A_18, %shift_right_arithmetic3A_4 : vector<16xi32>
    %add3A_20 = arith.constant 70 : i32
    %add3A_21 = vector.broadcast %add3A_20 : i32 to vector<16xi32>
    %add3A_22 = arith.addi %add3A_21, %shift_right_arithmetic3A_4 : vector<16xi32>
    %scan3A = arith.constant 0 : i32
    %scan3A_23 = arith.constant 128 : i32
    %scan3A_24 = arith.addi %scan3A, %scan3A_23 : i32
    %scan3A_25 = arith.constant 1 : i32
    scf.for %scan3A_37 = %scan3A to %scan3A_24 step %scan3A_25  : i32 {
      %mul3A_38 = arith.constant 1 : i32
      %mul3A_39 = arith.muli %scan3A_37, %mul3A_38 : i32
      %add3A_40 = arith.constant 0 : i32
      %add3A_41 = arith.addi %add3A_40, %mul3A_39 : i32
      %swap3A = arith.index_cast %add3A_41 : i32 to index
      %swap3A_42 = arith.constant 64 : index
      %swap3A_43 = tpu.vector_load %arg14[%swap3A, %swap3A_42] {strides = array<i32>} : memref<128x80xf32, #tpu.memory_space<vmem>>, vector<16xf32>,
      tpu.vector_store %arg14[%swap3A, %swap3A_42], %broadcast_in_dim3A_10 {strides = array<i32>} : memref<128x80xf32, #tpu.memory_space<vmem>>, vector<16xf32>,
      %swap3A_44 = arith.index_cast %add3A_41 : i32 to index
      %swap3A_45 = arith.constant 64 : index
      %swap3A_46 = tpu.vector_load %arg15[%swap3A_44, %swap3A_45] {strides = array<i32>} : memref<128x80xf32, #tpu.memory_space<vmem>>, vector<16xf32>,
      tpu.vector_store %arg15[%swap3A_44, %swap3A_45], %broadcast_in_dim3A_10 {strides = array<i32>} : memref<128x80xf32, #tpu.memory_space<vmem>>, vector<16xf32>,
    }
    %scan3A_26 = arith.constant 128 : i32
    %barrier3A = arith.constant 0 : index
    tpu.barrier barrier_id(%barrier3A)
    %scan3A_27 = arith.constant 0 : i32
    %scan3A_28 = arith.constant 81 : i32
    %scan3A_29 = arith.addi %scan3A_27, %scan3A_28 : i32
    %scan3A_30 = arith.constant 1 : i32
    scf.for %scan3A_37 = %scan3A_27 to %scan3A_29 step %scan3A_30  : i32 {
      %mul3A_38 = arith.constant 1 : i32
      %mul3A_39 = arith.muli %scan3A_37, %mul3A_38 : i32
      %add3A_40 = arith.constant 0 : i32
      %add3A_41 = arith.addi %add3A_40, %mul3A_39 : i32
      %dma_start3A = arith.constant 0 : i32
      %dma_start3A_42 = tpu.memref_slice %arg8[%add3A_41, %dma_start3A] : memref<81x128xi32, #tpu.memory_space<vmem>> -> memref<1x128xi32, #tpu.memory_space<vmem>>
      %dma_start3A_43 = tpu.memref_squeeze %dma_start3A_42 : memref<1x128xi32, #tpu.memory_space<vmem>> -> memref<128xi32, #tpu.memory_space<vmem>>
      %dma_start3A_44 = arith.constant 0 : i32
      %dma_start3A_45 = arith.constant 0 : i32
      %dma_start3A_46 = tpu.memref_slice %arg2[%dma_start3A_44, %dma_start3A_45] : memref<10240x80xf32, #tpu.memory_space<hbm>> -> memref<10240x80xf32, #tpu.memory_space<hbm>>
      tpu.enqueue_indirect_dma source(%dma_start3A_46 : memref<10240x80xf32, #tpu.memory_space<hbm>>) target(%arg10 : memref<128x80xf32, #tpu.memory_space<vmem>>) offsets(%dma_start3A_43 : memref<128xi32, #tpu.memory_space<vmem>>) semaphore(%arg17 : memref<!tpu.dma_semaphore, #tpu.memory_space<semaphore_mem>>)
      %dma_start3A_47 = arith.constant 0 : i32
      %dma_start3A_48 = tpu.memref_slice %arg9[%add3A_41, %dma_start3A_47] : memref<81x128xi32, #tpu.memory_space<vmem>> -> memref<1x128xi32, #tpu.memory_space<vmem>>
      %dma_start3A_49 = tpu.memref_squeeze %dma_start3A_48 : memref<1x128xi32, #tpu.memory_space<vmem>> -> memref<128xi32, #tpu.memory_space<vmem>>
      %dma_start3A_50 = arith.constant 0 : i32
      %dma_start3A_51 = arith.constant 0 : i32
      %dma_start3A_52 = tpu.memref_slice %arg3[%dma_start3A_50, %dma_start3A_51] : memref<10240x16xf32, #tpu.memory_space<hbm>> -> memref<10240x16xf32, #tpu.memory_space<hbm>>
      tpu.enqueue_indirect_dma source(%dma_start3A_52 : memref<10240x16xf32, #tpu.memory_space<hbm>>) target(%arg12 : memref<128x16xf32, #tpu.memory_space<vmem>>) offsets(%dma_start3A_49 : memref<128xi32, #tpu.memory_space<vmem>>) semaphore(%arg19 : memref<!tpu.dma_semaphore, #tpu.memory_space<semaphore_mem>>)
      %dma_wait3A = arith.constant 0 : i32
      %dma_wait3A_53 = tpu.memref_slice %arg8[%add3A_41, %dma_wait3A] : memref<81x128xi32, #tpu.memory_space<vmem>> -> memref<1x128xi32, #tpu.memory_space<vmem>>
      %dma_wait3A_54 = tpu.memref_squeeze %dma_wait3A_53 : memref<1x128xi32, #tpu.memory_space<vmem>> -> memref<128xi32, #tpu.memory_space<vmem>>
      %dma_wait3A_55 = arith.constant 0 : i32
      %dma_wait3A_56 = arith.constant 0 : i32
      %dma_wait3A_57 = tpu.memref_slice %arg2[%dma_wait3A_55, %dma_wait3A_56] : memref<10240x80xf32, #tpu.memory_space<hbm>> -> memref<10240x80xf32, #tpu.memory_space<hbm>>
      tpu.wait_indirect_dma semaphore(%arg17 : memref<!tpu.dma_semaphore, #tpu.memory_space<semaphore_mem>>) src(%dma_wait3A_57 : memref<10240x80xf32, #tpu.memory_space<hbm>>) dst(%arg10 : memref<128x80xf32, #tpu.memory_space<vmem>>)
      %dma_wait3A_58 = arith.constant 0 : i32
      %dma_wait3A_59 = tpu.memref_slice %arg9[%add3A_41, %dma_wait3A_58] : memref<81x128xi32, #tpu.memory_space<vmem>> -> memref<1x128xi32, #tpu.memory_space<vmem>>
      %dma_wait3A_60 = tpu.memref_squeeze %dma_wait3A_59 : memref<1x128xi32, #tpu.memory_space<vmem>> -> memref<128xi32, #tpu.memory_space<vmem>>
      %dma_wait3A_61 = arith.constant 0 : i32
      %dma_wait3A_62 = arith.constant 0 : i32
      %dma_wait3A_63 = tpu.memref_slice %arg3[%dma_wait3A_61, %dma_wait3A_62] : memref<10240x16xf32, #tpu.memory_space<hbm>> -> memref<10240x16xf32, #tpu.memory_space<hbm>>
      tpu.wait_indirect_dma semaphore(%arg19 : memref<!tpu.dma_semaphore, #tpu.memory_space<semaphore_mem>>) src(%dma_wait3A_63 : memref<10240x16xf32, #tpu.memory_space<hbm>>) dst(%arg12 : memref<128x16xf32, #tpu.memory_space<vmem>>)
      %scan3A_64 = arith.constant 0 : i32
      %scan3A_65 = arith.constant 64 : i32
      %scan3A_66 = arith.addi %scan3A_64, %scan3A_65 : i32
      %scan3A_67 = arith.constant 1 : i32
      scf.for %scan3A_69 = %scan3A_64 to %scan3A_66 step %scan3A_67  : i32 {
        %mul3A_70 = arith.constant 2 : i32
        %mul3A_71 = arith.muli %scan3A_69, %mul3A_70 : i32
        %add3A_72 = arith.constant 0 : i32
        %add3A_73 = arith.addi %add3A_72, %mul3A_71 : i32
        %add3A_74 = vector.broadcast %add3A_73 : i32 to vector<16xi32>
        %add3A_75 = arith.addi %shift_right_arithmetic3A_4, %add3A_74 : vector<16xi32>
        %gather3A = tpu.vector_load_idx %arg10[%add3A_75, %add3A_9] : memref<128x80xf32, #tpu.memory_space<vmem>>[vector<16xi32>, vector<16xi32>], vector<16xf32>,
        %gather3A_76 = tpu.vector_load_idx %arg12[%add3A_75, %and3A_6] : memref<128x16xf32, #tpu.memory_space<vmem>>[vector<16xi32>, vector<16xi32>], vector<16xf32>,
        %add3A_77 = arith.addf %gather3A, %gather3A_76 : vector<16xf32>
        %mul3A_78 = arith.constant 1.44269502 : f32
        %mul3A_79 = vector.broadcast %mul3A_78 : f32 to vector<16xf32>
        %mul3A_80 = arith.mulf %add3A_77, %mul3A_79 : vector<16xf32>
        %mul3A_81 = arith.constant 2.000000e-01 : f32
        %mul3A_82 = vector.broadcast %mul3A_81 : f32 to vector<16xf32>
        %mul3A_83 = arith.mulf %mul3A_80, %mul3A_82 : vector<16xf32>
        %max3A = arith.maximumf %mul3A_80, %mul3A_83 : vector<16xf32>
        %add3A_84 = arith.constant 5.000000e-01 : f32
        %add3A_85 = vector.broadcast %add3A_84 : f32 to vector<16xf32>
        %add3A_86 = arith.addf %max3A, %add3A_85 : vector<16xf32>
        %convert_element_type3A = arith.fptosi %add3A_86 : vector<16xf32> to vector<16xi32>
        %convert_element_type3A_87 = arith.sitofp %convert_element_type3A : vector<16xi32> to vector<16xf32>
        %lt3A = arith.cmpf olt, %add3A_86, %convert_element_type3A_87 : vector<16xf32>
        %jit3A = arith.constant 1.000000e+00 : f32
        %jit3A_88 = arith.constant 0.000000e+00 : f32
        %broadcast_in_dim3A_89 = vector.broadcast %jit3A : f32 to vector<16xf32>
        %broadcast_in_dim3A_90 = vector.broadcast %jit3A_88 : f32 to vector<16xf32>
        %select_n3A = arith.select %lt3A, %broadcast_in_dim3A_89, %broadcast_in_dim3A_90 : vector<16xi1>, vector<16xf32>
        %sub3A = arith.subf %convert_element_type3A_87, %select_n3A : vector<16xf32>
        %sub3A_91 = arith.subf %max3A, %sub3A : vector<16xf32>
        %mul3A_92 = arith.constant 0.693147182 : f32
        %mul3A_93 = vector.broadcast %mul3A_92 : f32 to vector<16xf32>
        %mul3A_94 = arith.mulf %sub3A_91, %mul3A_93 : vector<16xf32>
        %mul3A_95 = arith.constant 0.00138888892 : f32
        %mul3A_96 = vector.broadcast %mul3A_95 : f32 to vector<16xf32>
        %mul3A_97 = arith.mulf %mul3A_94, %mul3A_96 : vector<16xf32>
        %add3A_98 = arith.constant 0.00833333377 : f32
        %add3A_99 = vector.broadcast %add3A_98 : f32 to vector<16xf32>
        %add3A_100 = arith.addf %add3A_99, %mul3A_97 : vector<16xf32>
        %mul3A_101 = arith.mulf %mul3A_94, %add3A_100 : vector<16xf32>
        %add3A_102 = arith.constant 0.0416666679 : f32
        %add3A_103 = vector.broadcast %add3A_102 : f32 to vector<16xf32>
        %add3A_104 = arith.addf %add3A_103, %mul3A_101 : vector<16xf32>
        %mul3A_105 = arith.mulf %mul3A_94, %add3A_104 : vector<16xf32>
        %add3A_106 = arith.constant 0.166666672 : f32
        %add3A_107 = vector.broadcast %add3A_106 : f32 to vector<16xf32>
        %add3A_108 = arith.addf %add3A_107, %mul3A_105 : vector<16xf32>
        %mul3A_109 = arith.mulf %mul3A_94, %add3A_108 : vector<16xf32>
        %add3A_110 = arith.constant 5.000000e-01 : f32
        %add3A_111 = vector.broadcast %add3A_110 : f32 to vector<16xf32>
        %add3A_112 = arith.addf %add3A_111, %mul3A_109 : vector<16xf32>
        %mul3A_113 = arith.mulf %mul3A_94, %add3A_112 : vector<16xf32>
        %add3A_114 = arith.constant 1.000000e+00 : f32
        %add3A_115 = vector.broadcast %add3A_114 : f32 to vector<16xf32>
        %add3A_116 = arith.addf %add3A_115, %mul3A_113 : vector<16xf32>
        %mul3A_117 = arith.mulf %mul3A_94, %add3A_116 : vector<16xf32>
        %add3A_118 = arith.constant 1.000000e+00 : f32
        %add3A_119 = vector.broadcast %add3A_118 : f32 to vector<16xf32>
        %add3A_120 = arith.addf %add3A_119, %mul3A_117 : vector<16xf32>
        %sub3A_121 = arith.constant 1 : i32
        %sub3A_122 = vector.broadcast %sub3A_121 : i32 to vector<16xi32>
        %sub3A_123 = arith.subi %convert_element_type3A, %sub3A_122 : vector<16xi32>
        %select_n3A_124 = arith.select %lt3A, %sub3A_123, %convert_element_type3A : vector<16xi1>, vector<16xi32>
        %jit3A_125 = arith.constant -126 : i32
        %jit3A_126 = arith.constant 127 : i32
        %max3A_127 = vector.broadcast %jit3A_125 : i32 to vector<16xi32>
        %max3A_128 = arith.maxsi %max3A_127, %select_n3A_124 : vector<16xi32>
        %min3A = vector.broadcast %jit3A_126 : i32 to vector<16xi32>
        %min3A_129 = arith.minsi %min3A, %max3A_128 : vector<16xi32>
        %add3A_130 = arith.constant 127 : i32
        %add3A_131 = vector.broadcast %add3A_130 : i32 to vector<16xi32>
        %add3A_132 = arith.addi %min3A_129, %add3A_131 : vector<16xi32>
        %shift_left3A = arith.constant 23 : i32
        %shift_left3A_133 = vector.broadcast %shift_left3A : i32 to vector<16xi32>
        %shift_left3A_134 = arith.shli %add3A_132, %shift_left3A_133 : vector<16xi32>
        %bitcast3A = vector.bitcast %shift_left3A_134 : vector<16xi32> to vector<16xf32>
        %mul3A_135 = arith.mulf %add3A_120, %bitcast3A : vector<16xf32>
        tpu.vector_store_idx %arg14[%add3A_75, %add3A_9], %mul3A_135 : memref<128x80xf32, #tpu.memory_space<vmem>>[vector<16xi32>, vector<16xi32>], vector<16xf32>,
        %add3A_136 = arith.constant 0 : i32
        %add3A_137 = arith.addi %add3A_73, %add3A_136 : i32
        %broadcast_in_dim3A_138 = vector.broadcast %add3A_137 : i32 to vector<16xi32>
        %gather3A_139 = tpu.vector_load_idx %arg14[%broadcast_in_dim3A_138, %add3A_13] : memref<128x80xf32, #tpu.memory_space<vmem>>[vector<16xi32>, vector<16xi32>], vector<16xf32>,
        %add3A_140 = arith.constant 0 : i32
        %add3A_141 = arith.addi %add3A_73, %add3A_140 : i32
        %get3A = arith.index_cast %add3A_141 : i32 to index
        %get3A_142 = arith.constant 0 : index
        %get3A_143 = tpu.vector_load %arg10[%get3A, %get3A_142] {strides = array<i32>} : memref<128x80xf32, #tpu.memory_space<vmem>>, vector<16xf32>,
        %mul3A_144 = arith.mulf %get3A_143, %gather3A_139 : vector<16xf32>
        %add3A_145 = arith.constant 0 : i32
        %add3A_146 = arith.addi %add3A_73, %add3A_145 : i32
        %swap3A = arith.index_cast %add3A_146 : i32 to index
        %swap3A_147 = arith.constant 0 : index
        %swap3A_148 = tpu.vector_load %arg14[%swap3A, %swap3A_147] {strides = array<i32>} : memref<128x80xf32, #tpu.memory_space<vmem>>, vector<16xf32>,
        tpu.vector_store %arg14[%swap3A, %swap3A_147], %mul3A_144 {strides = array<i32>} : memref<128x80xf32, #tpu.memory_space<vmem>>, vector<16xf32>,
        %gather3A_149 = tpu.vector_load_idx %arg14[%broadcast_in_dim3A_138, %add3A_16] : memref<128x80xf32, #tpu.memory_space<vmem>>[vector<16xi32>, vector<16xi32>], vector<16xf32>,
        %add3A_150 = arith.constant 0 : i32
        %add3A_151 = arith.addi %add3A_73, %add3A_150 : i32
        %get3A_152 = arith.index_cast %add3A_151 : i32 to index
        %get3A_153 = arith.constant 16 : index
        %get3A_154 = tpu.vector_load %arg10[%get3A_152, %get3A_153] {strides = array<i32>} : memref<128x80xf32, #tpu.memory_space<vmem>>, vector<16xf32>,
        %mul3A_155 = arith.mulf %get3A_154, %gather3A_149 : vector<16xf32>
        %add3A_156 = arith.constant 0 : i32
        %add3A_157 = arith.addi %add3A_73, %add3A_156 : i32
        %swap3A_158 = arith.index_cast %add3A_157 : i32 to index
        %swap3A_159 = arith.constant 16 : index
        %swap3A_160 = tpu.vector_load %arg14[%swap3A_158, %swap3A_159] {strides = array<i32>} : memref<128x80xf32, #tpu.memory_space<vmem>>, vector<16xf32>,
        tpu.vector_store %arg14[%swap3A_158, %swap3A_159], %mul3A_155 {strides = array<i32>} : memref<128x80xf32, #tpu.memory_space<vmem>>, vector<16xf32>,
        %gather3A_161 = tpu.vector_load_idx %arg14[%broadcast_in_dim3A_138, %add3A_19] : memref<128x80xf32, #tpu.memory_space<vmem>>[vector<16xi32>, vector<16xi32>], vector<16xf32>,
        %add3A_162 = arith.constant 0 : i32
        %add3A_163 = arith.addi %add3A_73, %add3A_162 : i32
        %get3A_164 = arith.index_cast %add3A_163 : i32 to index
        %get3A_165 = arith.constant 32 : index
        %get3A_166 = tpu.vector_load %arg10[%get3A_164, %get3A_165] {strides = array<i32>} : memref<128x80xf32, #tpu.memory_space<vmem>>, vector<16xf32>,
        %mul3A_167 = arith.mulf %get3A_166, %gather3A_161 : vector<16xf32>
        %add3A_168 = arith.constant 0 : i32
        %add3A_169 = arith.addi %add3A_73, %add3A_168 : i32
        %swap3A_170 = arith.index_cast %add3A_169 : i32 to index
        %swap3A_171 = arith.constant 32 : index
        %swap3A_172 = tpu.vector_load %arg14[%swap3A_170, %swap3A_171] {strides = array<i32>} : memref<128x80xf32, #tpu.memory_space<vmem>>, vector<16xf32>,
        tpu.vector_store %arg14[%swap3A_170, %swap3A_171], %mul3A_167 {strides = array<i32>} : memref<128x80xf32, #tpu.memory_space<vmem>>, vector<16xf32>,
        %gather3A_173 = tpu.vector_load_idx %arg14[%broadcast_in_dim3A_138, %add3A_22] : memref<128x80xf32, #tpu.memory_space<vmem>>[vector<16xi32>, vector<16xi32>], vector<16xf32>,
        %add3A_174 = arith.constant 0 : i32
        %add3A_175 = arith.addi %add3A_73, %add3A_174 : i32
        %get3A_176 = arith.index_cast %add3A_175 : i32 to index
        %get3A_177 = arith.constant 48 : index
        %get3A_178 = tpu.vector_load %arg10[%get3A_176, %get3A_177] {strides = array<i32>} : memref<128x80xf32, #tpu.memory_space<vmem>>, vector<16xf32>,
        %mul3A_179 = arith.mulf %get3A_178, %gather3A_173 : vector<16xf32>
        %add3A_180 = arith.constant 0 : i32
        %add3A_181 = arith.addi %add3A_73, %add3A_180 : i32
        %swap3A_182 = arith.index_cast %add3A_181 : i32 to index
        %swap3A_183 = arith.constant 48 : index
        %swap3A_184 = tpu.vector_load %arg14[%swap3A_182, %swap3A_183] {strides = array<i32>} : memref<128x80xf32, #tpu.memory_space<vmem>>, vector<16xf32>,
        tpu.vector_store %arg14[%swap3A_182, %swap3A_183], %mul3A_179 {strides = array<i32>} : memref<128x80xf32, #tpu.memory_space<vmem>>, vector<16xf32>,
        %add3A_185 = arith.constant 1 : i32
        %add3A_186 = arith.addi %add3A_73, %add3A_185 : i32
        %broadcast_in_dim3A_187 = vector.broadcast %add3A_186 : i32 to vector<16xi32>
        %gather3A_188 = tpu.vector_load_idx %arg14[%broadcast_in_dim3A_187, %add3A_13] : memref<128x80xf32, #tpu.memory_space<vmem>>[vector<16xi32>, vector<16xi32>], vector<16xf32>,
        %add3A_189 = arith.constant 1 : i32
        %add3A_190 = arith.addi %add3A_73, %add3A_189 : i32
        %get3A_191 = arith.index_cast %add3A_190 : i32 to index
        %get3A_192 = arith.constant 0 : index
        %get3A_193 = tpu.vector_load %arg10[%get3A_191, %get3A_192] {strides = array<i32>} : memref<128x80xf32, #tpu.memory_space<vmem>>, vector<16xf32>,
        %mul3A_194 = arith.mulf %get3A_193, %gather3A_188 : vector<16xf32>
        %add3A_195 = arith.constant 1 : i32
        %add3A_196 = arith.addi %add3A_73, %add3A_195 : i32
        %swap3A_197 = arith.index_cast %add3A_196 : i32 to index
        %swap3A_198 = arith.constant 0 : index
        %swap3A_199 = tpu.vector_load %arg14[%swap3A_197, %swap3A_198] {strides = array<i32>} : memref<128x80xf32, #tpu.memory_space<vmem>>, vector<16xf32>,
        tpu.vector_store %arg14[%swap3A_197, %swap3A_198], %mul3A_194 {strides = array<i32>} : memref<128x80xf32, #tpu.memory_space<vmem>>, vector<16xf32>,
        %gather3A_200 = tpu.vector_load_idx %arg14[%broadcast_in_dim3A_187, %add3A_16] : memref<128x80xf32, #tpu.memory_space<vmem>>[vector<16xi32>, vector<16xi32>], vector<16xf32>,
        %add3A_201 = arith.constant 1 : i32
        %add3A_202 = arith.addi %add3A_73, %add3A_201 : i32
        %get3A_203 = arith.index_cast %add3A_202 : i32 to index
        %get3A_204 = arith.constant 16 : index
        %get3A_205 = tpu.vector_load %arg10[%get3A_203, %get3A_204] {strides = array<i32>} : memref<128x80xf32, #tpu.memory_space<vmem>>, vector<16xf32>,
        %mul3A_206 = arith.mulf %get3A_205, %gather3A_200 : vector<16xf32>
        %add3A_207 = arith.constant 1 : i32
        %add3A_208 = arith.addi %add3A_73, %add3A_207 : i32
        %swap3A_209 = arith.index_cast %add3A_208 : i32 to index
        %swap3A_210 = arith.constant 16 : index
        %swap3A_211 = tpu.vector_load %arg14[%swap3A_209, %swap3A_210] {strides = array<i32>} : memref<128x80xf32, #tpu.memory_space<vmem>>, vector<16xf32>,
        tpu.vector_store %arg14[%swap3A_209, %swap3A_210], %mul3A_206 {strides = array<i32>} : memref<128x80xf32, #tpu.memory_space<vmem>>, vector<16xf32>,
        %gather3A_212 = tpu.vector_load_idx %arg14[%broadcast_in_dim3A_187, %add3A_19] : memref<128x80xf32, #tpu.memory_space<vmem>>[vector<16xi32>, vector<16xi32>], vector<16xf32>,
        %add3A_213 = arith.constant 1 : i32
        %add3A_214 = arith.addi %add3A_73, %add3A_213 : i32
        %get3A_215 = arith.index_cast %add3A_214 : i32 to index
        %get3A_216 = arith.constant 32 : index
        %get3A_217 = tpu.vector_load %arg10[%get3A_215, %get3A_216] {strides = array<i32>} : memref<128x80xf32, #tpu.memory_space<vmem>>, vector<16xf32>,
        %mul3A_218 = arith.mulf %get3A_217, %gather3A_212 : vector<16xf32>
        %add3A_219 = arith.constant 1 : i32
        %add3A_220 = arith.addi %add3A_73, %add3A_219 : i32
        %swap3A_221 = arith.index_cast %add3A_220 : i32 to index
        %swap3A_222 = arith.constant 32 : index
        %swap3A_223 = tpu.vector_load %arg14[%swap3A_221, %swap3A_222] {strides = array<i32>} : memref<128x80xf32, #tpu.memory_space<vmem>>, vector<16xf32>,
        tpu.vector_store %arg14[%swap3A_221, %swap3A_222], %mul3A_218 {strides = array<i32>} : memref<128x80xf32, #tpu.memory_space<vmem>>, vector<16xf32>,
        %gather3A_224 = tpu.vector_load_idx %arg14[%broadcast_in_dim3A_187, %add3A_22] : memref<128x80xf32, #tpu.memory_space<vmem>>[vector<16xi32>, vector<16xi32>], vector<16xf32>,
        %add3A_225 = arith.constant 1 : i32
        %add3A_226 = arith.addi %add3A_73, %add3A_225 : i32
        %get3A_227 = arith.index_cast %add3A_226 : i32 to index
        %get3A_228 = arith.constant 48 : index
        %get3A_229 = tpu.vector_load %arg10[%get3A_227, %get3A_228] {strides = array<i32>} : memref<128x80xf32, #tpu.memory_space<vmem>>, vector<16xf32>,
        %mul3A_230 = arith.mulf %get3A_229, %gather3A_224 : vector<16xf32>
        %add3A_231 = arith.constant 1 : i32
        %add3A_232 = arith.addi %add3A_73, %add3A_231 : i32
        %swap3A_233 = arith.index_cast %add3A_232 : i32 to index
        %swap3A_234 = arith.constant 48 : index
        %swap3A_235 = tpu.vector_load %arg14[%swap3A_233, %swap3A_234] {strides = array<i32>} : memref<128x80xf32, #tpu.memory_space<vmem>>, vector<16xf32>,
        tpu.vector_store %arg14[%swap3A_233, %swap3A_234], %mul3A_230 {strides = array<i32>} : memref<128x80xf32, #tpu.memory_space<vmem>>, vector<16xf32>,
      }
      %scan3A_68 = arith.constant 64 : i32
      "tpu.region"() ({
        %run_scoped3A = tpu.sem_alloc : memref<!tpu.dma_semaphore, #tpu.memory_space<semaphore_mem>>
        %dma_start3A_69 = arith.constant 0 : i32
        %dma_start3A_70 = tpu.memref_slice %arg9[%add3A_41, %dma_start3A_69] : memref<81x128xi32, #tpu.memory_space<vmem>> -> memref<1x128xi32, #tpu.memory_space<vmem>>
        %dma_start3A_71 = tpu.memref_squeeze %dma_start3A_70 : memref<1x128xi32, #tpu.memory_space<vmem>> -> memref<128xi32, #tpu.memory_space<vmem>>
        %dma_start3A_72 = arith.constant 0 : i32
        %dma_start3A_73 = arith.constant 0 : i32
        %dma_start3A_74 = tpu.memref_slice %arg16[%dma_start3A_72, %dma_start3A_73] : memref<10240x80xf32, #tpu.memory_space<vmem_shared>> -> memref<10240x80xf32, #tpu.memory_space<vmem_shared>>
        tpu.enqueue_indirect_dma source(%arg14 : memref<128x80xf32, #tpu.memory_space<vmem>>) target(%dma_start3A_74 : memref<10240x80xf32, #tpu.memory_space<vmem_shared>>) offsets(%dma_start3A_71 : memref<128xi32, #tpu.memory_space<vmem>>) semaphore(%run_scoped3A : memref<!tpu.dma_semaphore, #tpu.memory_space<semaphore_mem>>) {add = true}
        %dma_wait3A_75 = arith.constant 0 : i32
        %dma_wait3A_76 = tpu.memref_slice %arg9[%add3A_41, %dma_wait3A_75] : memref<81x128xi32, #tpu.memory_space<vmem>> -> memref<1x128xi32, #tpu.memory_space<vmem>>
        %dma_wait3A_77 = tpu.memref_squeeze %dma_wait3A_76 : memref<1x128xi32, #tpu.memory_space<vmem>> -> memref<128xi32, #tpu.memory_space<vmem>>
        %dma_wait3A_78 = arith.constant 0 : i32
        %dma_wait3A_79 = arith.constant 0 : i32
        %dma_wait3A_80 = tpu.memref_slice %arg16[%dma_wait3A_78, %dma_wait3A_79] : memref<10240x80xf32, #tpu.memory_space<vmem_shared>> -> memref<10240x80xf32, #tpu.memory_space<vmem_shared>>
        tpu.wait_indirect_dma semaphore(%run_scoped3A : memref<!tpu.dma_semaphore, #tpu.memory_space<semaphore_mem>>) src(%arg14 : memref<128x80xf32, #tpu.memory_space<vmem>>) dst(%dma_wait3A_80 : memref<10240x80xf32, #tpu.memory_space<vmem_shared>>)
        tpu.yield
      }) : () -> ()
    }
    %scan3A_31 = arith.constant 81 : i32
    %barrier3A_32 = arith.constant 0 : index
    tpu.barrier barrier_id(%barrier3A_32)
    %mul3A_33 = arith.constant 640 : i32
    %mul3A_34 = arith.muli %arg1, %mul3A_33 : i32
    %mul3A_35 = arith.constant 640 : i32
    %mul3A_36 = arith.muli %arg1, %mul3A_35 : i32
    "tpu.region"() ({
      %run_scoped3A = tpu.sem_alloc : memref<!tpu.dma_semaphore, #tpu.memory_space<semaphore_mem>>
      %dma_start3A = arith.constant 0 : i32
      %dma_start3A_37 = arith.constant 0 : i32
      %dma_start3A_38 = tpu.memref_slice %arg7[%arg0, %dma_start3A, %dma_start3A_37] : memref<2x10240x80xf32, #tpu.memory_space<hbm>> -> memref<1x10240x80xf32, #tpu.memory_space<hbm>>
      %dma_start3A_39 = tpu.memref_squeeze %dma_start3A_38 : memref<1x10240x80xf32, #tpu.memory_space<hbm>> -> memref<10240x80xf32, #tpu.memory_space<hbm>>
      %dma_start3A_40 = arith.constant 0 : i32
      %dma_start3A_41 = tpu.memref_slice %dma_start3A_39[%mul3A_36, %dma_start3A_40] : memref<10240x80xf32, #tpu.memory_space<hbm>> -> memref<640x80xf32, #tpu.memory_space<hbm>>
      %dma_start3A_42 = arith.constant 0 : i32
      %dma_start3A_43 = tpu.memref_slice %arg16[%mul3A_34, %dma_start3A_42] : memref<10240x80xf32, #tpu.memory_space<vmem_shared>> -> memref<640x80xf32, #tpu.memory_space<vmem_shared>>
      tpu.enqueue_dma source(%dma_start3A_43 : memref<640x80xf32, #tpu.memory_space<vmem_shared>>) target(%dma_start3A_41 : memref<640x80xf32, #tpu.memory_space<hbm>>) target_semaphore(%run_scoped3A : memref<!tpu.dma_semaphore, #tpu.memory_space<semaphore_mem>>)
      %dma_wait3A = arith.constant 0 : i32
      %dma_wait3A_44 = arith.constant 0 : i32
      %dma_wait3A_45 = tpu.memref_slice %arg7[%arg0, %dma_wait3A, %dma_wait3A_44] : memref<2x10240x80xf32, #tpu.memory_space<hbm>> -> memref<1x10240x80xf32, #tpu.memory_space<hbm>>
      %dma_wait3A_46 = tpu.memref_squeeze %dma_wait3A_45 : memref<1x10240x80xf32, #tpu.memory_space<hbm>> -> memref<10240x80xf32, #tpu.memory_space<hbm>>
      %dma_wait3A_47 = arith.constant 0 : i32
      %dma_wait3A_48 = tpu.memref_slice %dma_wait3A_46[%mul3A_36, %dma_wait3A_47] : memref<10240x80xf32, #tpu.memory_space<hbm>> -> memref<640x80xf32, #tpu.memory_space<hbm>>
      %dma_wait3A_49 = arith.constant 0 : i32
      %dma_wait3A_50 = tpu.memref_slice %arg16[%mul3A_34, %dma_wait3A_49] : memref<10240x80xf32, #tpu.memory_space<vmem_shared>> -> memref<640x80xf32, #tpu.memory_space<vmem_shared>>
      tpu.wait_dma2 semaphore(%run_scoped3A : memref<!tpu.dma_semaphore, #tpu.memory_space<semaphore_mem>>) src(%dma_wait3A_50 : memref<640x80xf32, #tpu.memory_space<vmem_shared>>) dst(%dma_wait3A_48 : memref<640x80xf32, #tpu.memory_space<hbm>>)
      tpu.yield
    }) : () -> ()
    return
  }
}

module attributes {stable_mosaic.version = 14 : i64} {
  func.func @_tables_block(%arg0: i32, %arg1: memref<1280x128xf32, #tpu.memory_space<vmem>>, %arg2: memref<128x64xf32, #tpu.memory_space<vmem>>, %arg3: memref<1x64xf32, #tpu.memory_space<vmem>>, %arg4: memref<1x64xf32, #tpu.memory_space<vmem>>, %arg5: memref<1280x80xf32, #tpu.memory_space<vmem>>, %arg6: memref<1280x16xf32, #tpu.memory_space<vmem>>) attributes {dimension_semantics = [#tpu.dimension_semantics<arbitrary>], iteration_bounds = array<i64: 8>, scalar_prefetch = 0 : i64, scratch_operands = 0 : i64, tpu.core_type = #tpu.core_type<tc>, window_params = [{transform_indices = @transform_0, window_bounds = array<i64: 1280, 128>}, {pipeline_mode = #tpu.pipeline_mode<synchronous>, transform_indices = @transform_1, window_bounds = array<i64: 128, 64>}, {pipeline_mode = #tpu.pipeline_mode<synchronous>, transform_indices = @transform_2, window_bounds = array<i64: 1, 64>}, {pipeline_mode = #tpu.pipeline_mode<synchronous>, transform_indices = @transform_3, window_bounds = array<i64: 1, 64>}, {transform_indices = @transform_4, window_bounds = array<i64: 1280, 80>}, {transform_indices = @transform_5, window_bounds = array<i64: 1280, 16>}]} {
    %get3A = arith.constant 0 : index
    %get3A_0 = arith.constant 0 : index
    %get3A_1 = vector.load %arg1[%get3A, %get3A_0] : memref<1280x128xf32, #tpu.memory_space<vmem>>, vector<1280x128xf32>
    %get3A_2 = arith.constant 0 : index
    %get3A_3 = arith.constant 0 : index
    %get3A_4 = vector.load %arg2[%get3A_2, %get3A_3] : memref<128x64xf32, #tpu.memory_space<vmem>>, vector<128x64xf32>
    %dot_general3A = arith.constant dense<0.000000e+00> : vector<1280x64xf32>
    %dot_general3A_5 = tpu.matmul %get3A_1, %get3A_4, %dot_general3A {dimension_numbers = #tpu.dot_dimension_numbers<[1], [0], [0], [1], [0, 0, 1, 1], [], []>, transpose_lhs_hint = false} : vector<1280x128xf32>, vector<128x64xf32>, vector<1280x64xf32> -> vector<1280x64xf32>
    %iota3A = tpu.iota {dimensions = array<i32: 0>} : vector<64x80xi32>
    %iota3A_6 = tpu.iota {dimensions = array<i32: 1>} : vector<64x80xi32>
    %eq3A = arith.cmpi eq, %iota3A, %iota3A_6 : vector<64x80xi32>
    %convert_element_type3A = arith.extui %eq3A : vector<64x80xi1> to vector<64x80xi32>
    %convert_element_type3A_7 = arith.sitofp %convert_element_type3A : vector<64x80xi32> to vector<64x80xf32>
    %iota3A_8 = tpu.iota {dimensions = array<i32: 0>} : vector<64x80xi32>
    %iota3A_9 = tpu.iota {dimensions = array<i32: 1>} : vector<64x80xi32>
    %jit3A = arith.constant 8 : i32
    %div3A = vector.broadcast %jit3A : i32 to vector<64x80xi32>
    %div3A_10 = arith.divsi %iota3A_8, %div3A : vector<64x80xi32>
    %sign3A = arith.constant 0 : i32
    %sign3A_11 = vector.broadcast %sign3A : i32 to vector<64x80xi32>
    %sign3A_12 = arith.cmpi sgt, %iota3A_8, %sign3A_11 : vector<64x80xi32>
    %sign3A_13 = arith.extui %sign3A_12 : vector<64x80xi1> to vector<64x80xi32>
    %sign3A_14 = arith.constant 0 : i32
    %sign3A_15 = vector.broadcast %sign3A_14 : i32 to vector<64x80xi32>
    %sign3A_16 = arith.cmpi slt, %iota3A_8, %sign3A_15 : vector<64x80xi32>
    %sign3A_17 = arith.extui %sign3A_16 : vector<64x80xi1> to vector<64x80xi32>
    %sign3A_18 = arith.subi %sign3A_13, %sign3A_17 : vector<64x80xi32>
    %sign3A_19 = arith.constant 0 : i32
    %sign3A_20 = arith.cmpi sgt, %jit3A, %sign3A_19 : i32
    %sign3A_21 = arith.extui %sign3A_20 : i1 to i32
    %sign3A_22 = arith.constant 0 : i32
    %sign3A_23 = arith.cmpi slt, %jit3A, %sign3A_22 : i32
    %sign3A_24 = arith.extui %sign3A_23 : i1 to i32
    %sign3A_25 = arith.subi %sign3A_21, %sign3A_24 : i32
    %ne3A = vector.broadcast %sign3A_25 : i32 to vector<64x80xi32>
    %ne3A_26 = arith.cmpi ne, %sign3A_18, %ne3A : vector<64x80xi32>
    %rem3A = vector.broadcast %jit3A : i32 to vector<64x80xi32>
    %rem3A_27 = arith.remsi %iota3A_8, %rem3A : vector<64x80xi32>
    %ne3A_28 = arith.constant 0 : i32
    %ne3A_29 = vector.broadcast %ne3A_28 : i32 to vector<64x80xi32>
    %ne3A_30 = arith.cmpi ne, %rem3A_27, %ne3A_29 : vector<64x80xi32>
    %and3A = arith.andi %ne3A_26, %ne3A_30 : vector<64x80xi1>
    %sub3A = arith.constant 1 : i32
    %sub3A_31 = vector.broadcast %sub3A : i32 to vector<64x80xi32>
    %sub3A_32 = arith.subi %div3A_10, %sub3A_31 : vector<64x80xi32>
    %select_n3A = arith.select %and3A, %sub3A_32, %div3A_10 : vector<64x80xi1>, vector<64x80xi32>
    %add3A = arith.constant 64 : i32
    %add3A_33 = vector.broadcast %add3A : i32 to vector<64x80xi32>
    %add3A_34 = arith.addi %add3A_33, %select_n3A : vector<64x80xi32>
    %eq3A_35 = arith.cmpi eq, %iota3A_9, %add3A_34 : vector<64x80xi32>
    %convert_element_type3A_36 = arith.extui %eq3A_35 : vector<64x80xi1> to vector<64x80xi32>
    %convert_element_type3A_37 = arith.sitofp %convert_element_type3A_36 : vector<64x80xi32> to vector<64x80xf32>
    %iota3A_38 = tpu.iota {dimensions = array<i32: 0>} : vector<64x16xi32>
    %iota3A_39 = tpu.iota {dimensions = array<i32: 1>} : vector<64x16xi32>
    %jit3A_40 = arith.constant 8 : i32
    %div3A_41 = vector.broadcast %jit3A_40 : i32 to vector<64x16xi32>
    %div3A_42 = arith.divsi %iota3A_38, %div3A_41 : vector<64x16xi32>
    %sign3A_43 = arith.constant 0 : i32
    %sign3A_44 = vector.broadcast %sign3A_43 : i32 to vector<64x16xi32>
    %sign3A_45 = arith.cmpi sgt, %iota3A_38, %sign3A_44 : vector<64x16xi32>
    %sign3A_46 = arith.extui %sign3A_45 : vector<64x16xi1> to vector<64x16xi32>
    %sign3A_47 = arith.constant 0 : i32
    %sign3A_48 = vector.broadcast %sign3A_47 : i32 to vector<64x16xi32>
    %sign3A_49 = arith.cmpi slt, %iota3A_38, %sign3A_48 : vector<64x16xi32>
    %sign3A_50 = arith.extui %sign3A_49 : vector<64x16xi1> to vector<64x16xi32>
    %sign3A_51 = arith.subi %sign3A_46, %sign3A_50 : vector<64x16xi32>
    %sign3A_52 = arith.constant 0 : i32
    %sign3A_53 = arith.cmpi sgt, %jit3A_40, %sign3A_52 : i32
    %sign3A_54 = arith.extui %sign3A_53 : i1 to i32
    %sign3A_55 = arith.constant 0 : i32
    %sign3A_56 = arith.cmpi slt, %jit3A_40, %sign3A_55 : i32
    %sign3A_57 = arith.extui %sign3A_56 : i1 to i32
    %sign3A_58 = arith.subi %sign3A_54, %sign3A_57 : i32
    %ne3A_59 = vector.broadcast %sign3A_58 : i32 to vector<64x16xi32>
    %ne3A_60 = arith.cmpi ne, %sign3A_51, %ne3A_59 : vector<64x16xi32>
    %rem3A_61 = vector.broadcast %jit3A_40 : i32 to vector<64x16xi32>
    %rem3A_62 = arith.remsi %iota3A_38, %rem3A_61 : vector<64x16xi32>
    %ne3A_63 = arith.constant 0 : i32
    %ne3A_64 = vector.broadcast %ne3A_63 : i32 to vector<64x16xi32>
    %ne3A_65 = arith.cmpi ne, %rem3A_62, %ne3A_64 : vector<64x16xi32>
    %and3A_66 = arith.andi %ne3A_60, %ne3A_65 : vector<64x16xi1>
    %sub3A_67 = arith.constant 1 : i32
    %sub3A_68 = vector.broadcast %sub3A_67 : i32 to vector<64x16xi32>
    %sub3A_69 = arith.subi %div3A_42, %sub3A_68 : vector<64x16xi32>
    %select_n3A_70 = arith.select %and3A_66, %sub3A_69, %div3A_42 : vector<64x16xi1>, vector<64x16xi32>
    %eq3A_71 = arith.cmpi eq, %iota3A_39, %select_n3A_70 : vector<64x16xi32>
    %convert_element_type3A_72 = arith.extui %eq3A_71 : vector<64x16xi1> to vector<64x16xi32>
    %convert_element_type3A_73 = arith.sitofp %convert_element_type3A_72 : vector<64x16xi32> to vector<64x16xf32>
    %dot_general3A_74 = arith.constant dense<0.000000e+00> : vector<1280x80xf32>
    %dot_general3A_75 = tpu.matmul %dot_general3A_5, %convert_element_type3A_7, %dot_general3A_74 {dimension_numbers = #tpu.dot_dimension_numbers<[1], [0], [0], [1], [0, 0, 1, 1], [], []>, precision = #tpu.contract_precision<fp32>, transpose_lhs_hint = false} : vector<1280x64xf32>, vector<64x80xf32>, vector<1280x80xf32> -> vector<1280x80xf32>
    %get3A_76 = arith.constant 0 : index
    %get3A_77 = arith.constant 0 : index
    %get3A_78 = vector.load %arg3[%get3A_76, %get3A_77] : memref<1x64xf32, #tpu.memory_space<vmem>>, vector<1x64xf32>
    %mul3A = vector.broadcast %get3A_78 : vector<1x64xf32> to vector<1280x64xf32>
    %mul3A_79 = arith.mulf %dot_general3A_5, %mul3A : vector<1280x64xf32>
    %dot_general3A_80 = arith.constant dense<0.000000e+00> : vector<1280x80xf32>
    %dot_general3A_81 = tpu.matmul %mul3A_79, %convert_element_type3A_37, %dot_general3A_80 {dimension_numbers = #tpu.dot_dimension_numbers<[1], [0], [0], [1], [0, 0, 1, 1], [], []>, precision = #tpu.contract_precision<fp32>, transpose_lhs_hint = false} : vector<1280x64xf32>, vector<64x80xf32>, vector<1280x80xf32> -> vector<1280x80xf32>
    %add3A_82 = arith.addf %dot_general3A_75, %dot_general3A_81 : vector<1280x80xf32>
    %swap3A = arith.constant 0 : index
    %swap3A_83 = arith.constant 0 : index
    %swap3A_84 = vector.load %arg5[%swap3A, %swap3A_83] : memref<1280x80xf32, #tpu.memory_space<vmem>>, vector<1280x80xf32>
    tpu.vector_store %arg5[%swap3A, %swap3A_83], %add3A_82 {strides = array<i32>} : memref<1280x80xf32, #tpu.memory_space<vmem>>, vector<1280x80xf32>,
    %get3A_85 = arith.constant 0 : index
    %get3A_86 = arith.constant 0 : index
    %get3A_87 = vector.load %arg4[%get3A_85, %get3A_86] : memref<1x64xf32, #tpu.memory_space<vmem>>, vector<1x64xf32>
    %mul3A_88 = vector.broadcast %get3A_87 : vector<1x64xf32> to vector<1280x64xf32>
    %mul3A_89 = arith.mulf %dot_general3A_5, %mul3A_88 : vector<1280x64xf32>
    %dot_general3A_90 = arith.constant dense<0.000000e+00> : vector<1280x16xf32>
    %dot_general3A_91 = tpu.matmul %mul3A_89, %convert_element_type3A_73, %dot_general3A_90 {dimension_numbers = #tpu.dot_dimension_numbers<[1], [0], [0], [1], [0, 0, 1, 1], [], []>, precision = #tpu.contract_precision<fp32>, transpose_lhs_hint = false} : vector<1280x64xf32>, vector<64x16xf32>, vector<1280x16xf32> -> vector<1280x16xf32>
    %swap3A_92 = arith.constant 0 : index
    %swap3A_93 = arith.constant 0 : index
    %swap3A_94 = vector.load %arg6[%swap3A_92, %swap3A_93] : memref<1280x16xf32, #tpu.memory_space<vmem>>, vector<1280x16xf32>
    tpu.vector_store %arg6[%swap3A_92, %swap3A_93], %dot_general3A_91 {strides = array<i32>} : memref<1280x16xf32, #tpu.memory_space<vmem>>, vector<1280x16xf32>,
    return
  }
  func.func @transform_0(%arg0: i32) -> (i32, i32) {
    %c0_i32 = arith.constant 0 : i32
    %c0_i32_0 = arith.constant 0 : i32
    return %arg0, %c0_i32 : i32, i32
  }
  func.func @transform_1(%arg0: i32) -> (i32, i32) {
    %c0_i32 = arith.constant 0 : i32
    %c0_i32_0 = arith.constant 0 : i32
    %c0_i32_1 = arith.constant 0 : i32
    return %c0_i32, %c0_i32_0 : i32, i32
  }
  func.func @transform_2(%arg0: i32) -> (i32, i32) {
    %c0_i32 = arith.constant 0 : i32
    %c0_i32_0 = arith.constant 0 : i32
    %c0_i32_1 = arith.constant 0 : i32
    return %c0_i32, %c0_i32_0 : i32, i32
  }
  func.func @transform_3(%arg0: i32) -> (i32, i32) {
    %c0_i32 = arith.constant 0 : i32
    %c0_i32_0 = arith.constant 0 : i32
    %c0_i32_1 = arith.constant 0 : i32
    return %c0_i32, %c0_i32_0 : i32, i32
  }
  func.func @transform_4(%arg0: i32) -> (i32, i32) {
    %c0_i32 = arith.constant 0 : i32
    %c0_i32_0 = arith.constant 0 : i32
    return %arg0, %c0_i32 : i32, i32
  }
  func.func @transform_5(%arg0: i32) -> (i32, i32) {
    %c0_i32 = arith.constant 0 : i32
    %c0_i32_0 = arith.constant 0 : i32
    return %arg0, %c0_i32 : i32, i32
  }
}

module attributes {stable_mosaic.version = 14 : i64} {
  func.func @_combine_block(%arg0: i32, %arg1: memref<1280x80xf32, #tpu.memory_space<vmem>>, %arg2: memref<1280x80xf32, #tpu.memory_space<vmem>>, %arg3: memref<1x64xf32, #tpu.memory_space<vmem>>, %arg4: memref<1280x64xf32, #tpu.memory_space<vmem>>) attributes {dimension_semantics = [#tpu.dimension_semantics<arbitrary>], iteration_bounds = array<i64: 8>, scalar_prefetch = 0 : i64, scratch_operands = 0 : i64, tpu.core_type = #tpu.core_type<tc>, window_params = [{transform_indices = @transform_0, window_bounds = array<i64: 1280, 80>}, {transform_indices = @transform_1, window_bounds = array<i64: 1280, 80>}, {pipeline_mode = #tpu.pipeline_mode<synchronous>, transform_indices = @transform_2, window_bounds = array<i64: 1, 64>}, {transform_indices = @transform_3, window_bounds = array<i64: 1280, 64>}]} {
    %get3A = arith.constant 0 : index
    %get3A_0 = arith.constant 0 : index
    %get3A_1 = vector.load %arg1[%get3A, %get3A_0] : memref<1280x80xf32, #tpu.memory_space<vmem>>, vector<1280x80xf32>
    %get3A_2 = arith.constant 0 : index
    %get3A_3 = arith.constant 0 : index
    %get3A_4 = vector.load %arg2[%get3A_2, %get3A_3] : memref<1280x80xf32, #tpu.memory_space<vmem>>, vector<1280x80xf32>
    %add3A = arith.addf %get3A_1, %get3A_4 : vector<1280x80xf32>
    %iota3A = tpu.iota {dimensions = array<i32: 0>} : vector<80x64xi32>
    %iota3A_5 = tpu.iota {dimensions = array<i32: 1>} : vector<80x64xi32>
    %eq3A = arith.cmpi eq, %iota3A, %iota3A_5 : vector<80x64xi32>
    %convert_element_type3A = arith.extui %eq3A : vector<80x64xi1> to vector<80x64xi32>
    %convert_element_type3A_6 = arith.sitofp %convert_element_type3A : vector<80x64xi32> to vector<80x64xf32>
    %iota3A_7 = tpu.iota {dimensions = array<i32: 0>} : vector<80x64xi32>
    %iota3A_8 = tpu.iota {dimensions = array<i32: 1>} : vector<80x64xi32>
    %jit3A = arith.constant 8 : i32
    %div3A = vector.broadcast %jit3A : i32 to vector<80x64xi32>
    %div3A_9 = arith.divsi %iota3A_8, %div3A : vector<80x64xi32>
    %sign3A = arith.constant 0 : i32
    %sign3A_10 = vector.broadcast %sign3A : i32 to vector<80x64xi32>
    %sign3A_11 = arith.cmpi sgt, %iota3A_8, %sign3A_10 : vector<80x64xi32>
    %sign3A_12 = arith.extui %sign3A_11 : vector<80x64xi1> to vector<80x64xi32>
    %sign3A_13 = arith.constant 0 : i32
    %sign3A_14 = vector.broadcast %sign3A_13 : i32 to vector<80x64xi32>
    %sign3A_15 = arith.cmpi slt, %iota3A_8, %sign3A_14 : vector<80x64xi32>
    %sign3A_16 = arith.extui %sign3A_15 : vector<80x64xi1> to vector<80x64xi32>
    %sign3A_17 = arith.subi %sign3A_12, %sign3A_16 : vector<80x64xi32>
    %sign3A_18 = arith.constant 0 : i32
    %sign3A_19 = arith.cmpi sgt, %jit3A, %sign3A_18 : i32
    %sign3A_20 = arith.extui %sign3A_19 : i1 to i32
    %sign3A_21 = arith.constant 0 : i32
    %sign3A_22 = arith.cmpi slt, %jit3A, %sign3A_21 : i32
    %sign3A_23 = arith.extui %sign3A_22 : i1 to i32
    %sign3A_24 = arith.subi %sign3A_20, %sign3A_23 : i32
    %ne3A = vector.broadcast %sign3A_24 : i32 to vector<80x64xi32>
    %ne3A_25 = arith.cmpi ne, %sign3A_17, %ne3A : vector<80x64xi32>
    %rem3A = vector.broadcast %jit3A : i32 to vector<80x64xi32>
    %rem3A_26 = arith.remsi %iota3A_8, %rem3A : vector<80x64xi32>
    %ne3A_27 = arith.constant 0 : i32
    %ne3A_28 = vector.broadcast %ne3A_27 : i32 to vector<80x64xi32>
    %ne3A_29 = arith.cmpi ne, %rem3A_26, %ne3A_28 : vector<80x64xi32>
    %and3A = arith.andi %ne3A_25, %ne3A_29 : vector<80x64xi1>
    %sub3A = arith.constant 1 : i32
    %sub3A_30 = vector.broadcast %sub3A : i32 to vector<80x64xi32>
    %sub3A_31 = arith.subi %div3A_9, %sub3A_30 : vector<80x64xi32>
    %select_n3A = arith.select %and3A, %sub3A_31, %div3A_9 : vector<80x64xi1>, vector<80x64xi32>
    %add3A_32 = arith.constant 64 : i32
    %add3A_33 = vector.broadcast %add3A_32 : i32 to vector<80x64xi32>
    %add3A_34 = arith.addi %add3A_33, %select_n3A : vector<80x64xi32>
    %eq3A_35 = arith.cmpi eq, %iota3A_7, %add3A_34 : vector<80x64xi32>
    %convert_element_type3A_36 = arith.extui %eq3A_35 : vector<80x64xi1> to vector<80x64xi32>
    %convert_element_type3A_37 = arith.sitofp %convert_element_type3A_36 : vector<80x64xi32> to vector<80x64xf32>
    %dot_general3A = arith.constant dense<0.000000e+00> : vector<1280x64xf32>
    %dot_general3A_38 = tpu.matmul %add3A, %convert_element_type3A_6, %dot_general3A {dimension_numbers = #tpu.dot_dimension_numbers<[1], [0], [0], [1], [0, 0, 1, 1], [], []>, precision = #tpu.contract_precision<fp32>, transpose_lhs_hint = false} : vector<1280x80xf32>, vector<80x64xf32>, vector<1280x64xf32> -> vector<1280x64xf32>
    %dot_general3A_39 = arith.constant dense<0.000000e+00> : vector<1280x64xf32>
    %dot_general3A_40 = tpu.matmul %add3A, %convert_element_type3A_37, %dot_general3A_39 {dimension_numbers = #tpu.dot_dimension_numbers<[1], [0], [0], [1], [0, 0, 1, 1], [], []>, precision = #tpu.contract_precision<fp32>, transpose_lhs_hint = false} : vector<1280x80xf32>, vector<80x64xf32>, vector<1280x64xf32> -> vector<1280x64xf32>
    %add3A_41 = arith.constant 1.000000e-16 : f32
    %add3A_42 = vector.broadcast %add3A_41 : f32 to vector<1280x64xf32>
    %add3A_43 = arith.addf %dot_general3A_40, %add3A_42 : vector<1280x64xf32>
    %div3A_44 = arith.divf %dot_general3A_38, %add3A_43 : vector<1280x64xf32>
    %get3A_45 = arith.constant 0 : index
    %get3A_46 = arith.constant 0 : index
    %get3A_47 = vector.load %arg3[%get3A_45, %get3A_46] : memref<1x64xf32, #tpu.memory_space<vmem>>, vector<1x64xf32>
    %add3A_48 = vector.broadcast %get3A_47 : vector<1x64xf32> to vector<1280x64xf32>
    %add3A_49 = arith.addf %div3A_44, %add3A_48 : vector<1280x64xf32>
    %gt3A = arith.constant 0.000000e+00 : f32
    %gt3A_50 = vector.broadcast %gt3A : f32 to vector<1280x64xf32>
    %gt3A_51 = arith.cmpf ogt, %add3A_49, %gt3A_50 : vector<1280x64xf32>
    %exp3A = math.exp %add3A_49 : vector<1280x64xf32>
    %sub3A_52 = arith.constant 1.000000e+00 : f32
    %sub3A_53 = vector.broadcast %sub3A_52 : f32 to vector<1280x64xf32>
    %sub3A_54 = arith.subf %exp3A, %sub3A_53 : vector<1280x64xf32>
    %select_n3A_55 = arith.select %gt3A_51, %add3A_49, %sub3A_54 : vector<1280x64xi1>, vector<1280x64xf32>
    %swap3A = arith.constant 0 : index
    %swap3A_56 = arith.constant 0 : index
    %swap3A_57 = vector.load %arg4[%swap3A, %swap3A_56] : memref<1280x64xf32, #tpu.memory_space<vmem>>, vector<1280x64xf32>
    tpu.vector_store %arg4[%swap3A, %swap3A_56], %select_n3A_55 {strides = array<i32>} : memref<1280x64xf32, #tpu.memory_space<vmem>>, vector<1280x64xf32>,
    return
  }
  func.func @transform_0(%arg0: i32) -> (i32, i32) {
    %c0_i32 = arith.constant 0 : i32
    %c0_i32_0 = arith.constant 0 : i32
    return %arg0, %c0_i32 : i32, i32
  }
  func.func @transform_1(%arg0: i32) -> (i32, i32) {
    %c0_i32 = arith.constant 0 : i32
    %c0_i32_0 = arith.constant 0 : i32
    return %arg0, %c0_i32 : i32, i32
  }
  func.func @transform_2(%arg0: i32) -> (i32, i32) {
    %c0_i32 = arith.constant 0 : i32
    %c0_i32_0 = arith.constant 0 : i32
    %c0_i32_1 = arith.constant 0 : i32
    return %c0_i32, %c0_i32_0 : i32, i32
  }
  func.func @transform_3(%arg0: i32) -> (i32, i32) {
    %c0_i32 = arith.constant 0 : i32
    %c0_i32_0 = arith.constant 0 : i32
    return %arg0, %c0_i32 : i32, i32
  }
}

module attributes {stable_mosaic.version = 14 : i64} {
  func.func @_tables_block(%arg0: i32, %arg1: memref<1280x64xf32, #tpu.memory_space<vmem>>, %arg2: memref<64x64xf32, #tpu.memory_space<vmem>>, %arg3: memref<1x64xf32, #tpu.memory_space<vmem>>, %arg4: memref<1x64xf32, #tpu.memory_space<vmem>>, %arg5: memref<1280x80xf32, #tpu.memory_space<vmem>>, %arg6: memref<1280x16xf32, #tpu.memory_space<vmem>>) attributes {dimension_semantics = [#tpu.dimension_semantics<arbitrary>], iteration_bounds = array<i64: 8>, scalar_prefetch = 0 : i64, scratch_operands = 0 : i64, tpu.core_type = #tpu.core_type<tc>, window_params = [{transform_indices = @transform_0, window_bounds = array<i64: 1280, 64>}, {pipeline_mode = #tpu.pipeline_mode<synchronous>, transform_indices = @transform_1, window_bounds = array<i64: 64, 64>}, {pipeline_mode = #tpu.pipeline_mode<synchronous>, transform_indices = @transform_2, window_bounds = array<i64: 1, 64>}, {pipeline_mode = #tpu.pipeline_mode<synchronous>, transform_indices = @transform_3, window_bounds = array<i64: 1, 64>}, {transform_indices = @transform_4, window_bounds = array<i64: 1280, 80>}, {transform_indices = @transform_5, window_bounds = array<i64: 1280, 16>}]} {
    %get3A = arith.constant 0 : index
    %get3A_0 = arith.constant 0 : index
    %get3A_1 = vector.load %arg1[%get3A, %get3A_0] : memref<1280x64xf32, #tpu.memory_space<vmem>>, vector<1280x64xf32>
    %get3A_2 = arith.constant 0 : index
    %get3A_3 = arith.constant 0 : index
    %get3A_4 = vector.load %arg2[%get3A_2, %get3A_3] : memref<64x64xf32, #tpu.memory_space<vmem>>, vector<64x64xf32>
    %dot_general3A = arith.constant dense<0.000000e+00> : vector<1280x64xf32>
    %dot_general3A_5 = tpu.matmul %get3A_1, %get3A_4, %dot_general3A {dimension_numbers = #tpu.dot_dimension_numbers<[1], [0], [0], [1], [0, 0, 1, 1], [], []>, transpose_lhs_hint = false} : vector<1280x64xf32>, vector<64x64xf32>, vector<1280x64xf32> -> vector<1280x64xf32>
    %iota3A = tpu.iota {dimensions = array<i32: 0>} : vector<64x80xi32>
    %iota3A_6 = tpu.iota {dimensions = array<i32: 1>} : vector<64x80xi32>
    %eq3A = arith.cmpi eq, %iota3A, %iota3A_6 : vector<64x80xi32>
    %convert_element_type3A = arith.extui %eq3A : vector<64x80xi1> to vector<64x80xi32>
    %convert_element_type3A_7 = arith.sitofp %convert_element_type3A : vector<64x80xi32> to vector<64x80xf32>
    %iota3A_8 = tpu.iota {dimensions = array<i32: 0>} : vector<64x80xi32>
    %iota3A_9 = tpu.iota {dimensions = array<i32: 1>} : vector<64x80xi32>
    %jit3A = arith.constant 8 : i32
    %div3A = vector.broadcast %jit3A : i32 to vector<64x80xi32>
    %div3A_10 = arith.divsi %iota3A_8, %div3A : vector<64x80xi32>
    %sign3A = arith.constant 0 : i32
    %sign3A_11 = vector.broadcast %sign3A : i32 to vector<64x80xi32>
    %sign3A_12 = arith.cmpi sgt, %iota3A_8, %sign3A_11 : vector<64x80xi32>
    %sign3A_13 = arith.extui %sign3A_12 : vector<64x80xi1> to vector<64x80xi32>
    %sign3A_14 = arith.constant 0 : i32
    %sign3A_15 = vector.broadcast %sign3A_14 : i32 to vector<64x80xi32>
    %sign3A_16 = arith.cmpi slt, %iota3A_8, %sign3A_15 : vector<64x80xi32>
    %sign3A_17 = arith.extui %sign3A_16 : vector<64x80xi1> to vector<64x80xi32>
    %sign3A_18 = arith.subi %sign3A_13, %sign3A_17 : vector<64x80xi32>
    %sign3A_19 = arith.constant 0 : i32
    %sign3A_20 = arith.cmpi sgt, %jit3A, %sign3A_19 : i32
    %sign3A_21 = arith.extui %sign3A_20 : i1 to i32
    %sign3A_22 = arith.constant 0 : i32
    %sign3A_23 = arith.cmpi slt, %jit3A, %sign3A_22 : i32
    %sign3A_24 = arith.extui %sign3A_23 : i1 to i32
    %sign3A_25 = arith.subi %sign3A_21, %sign3A_24 : i32
    %ne3A = vector.broadcast %sign3A_25 : i32 to vector<64x80xi32>
    %ne3A_26 = arith.cmpi ne, %sign3A_18, %ne3A : vector<64x80xi32>
    %rem3A = vector.broadcast %jit3A : i32 to vector<64x80xi32>
    %rem3A_27 = arith.remsi %iota3A_8, %rem3A : vector<64x80xi32>
    %ne3A_28 = arith.constant 0 : i32
    %ne3A_29 = vector.broadcast %ne3A_28 : i32 to vector<64x80xi32>
    %ne3A_30 = arith.cmpi ne, %rem3A_27, %ne3A_29 : vector<64x80xi32>
    %and3A = arith.andi %ne3A_26, %ne3A_30 : vector<64x80xi1>
    %sub3A = arith.constant 1 : i32
    %sub3A_31 = vector.broadcast %sub3A : i32 to vector<64x80xi32>
    %sub3A_32 = arith.subi %div3A_10, %sub3A_31 : vector<64x80xi32>
    %select_n3A = arith.select %and3A, %sub3A_32, %div3A_10 : vector<64x80xi1>, vector<64x80xi32>
    %add3A = arith.constant 64 : i32
    %add3A_33 = vector.broadcast %add3A : i32 to vector<64x80xi32>
    %add3A_34 = arith.addi %add3A_33, %select_n3A : vector<64x80xi32>
    %eq3A_35 = arith.cmpi eq, %iota3A_9, %add3A_34 : vector<64x80xi32>
    %convert_element_type3A_36 = arith.extui %eq3A_35 : vector<64x80xi1> to vector<64x80xi32>
    %convert_element_type3A_37 = arith.sitofp %convert_element_type3A_36 : vector<64x80xi32> to vector<64x80xf32>
    %iota3A_38 = tpu.iota {dimensions = array<i32: 0>} : vector<64x16xi32>
    %iota3A_39 = tpu.iota {dimensions = array<i32: 1>} : vector<64x16xi32>
    %jit3A_40 = arith.constant 8 : i32
    %div3A_41 = vector.broadcast %jit3A_40 : i32 to vector<64x16xi32>
    %div3A_42 = arith.divsi %iota3A_38, %div3A_41 : vector<64x16xi32>
    %sign3A_43 = arith.constant 0 : i32
    %sign3A_44 = vector.broadcast %sign3A_43 : i32 to vector<64x16xi32>
    %sign3A_45 = arith.cmpi sgt, %iota3A_38, %sign3A_44 : vector<64x16xi32>
    %sign3A_46 = arith.extui %sign3A_45 : vector<64x16xi1> to vector<64x16xi32>
    %sign3A_47 = arith.constant 0 : i32
    %sign3A_48 = vector.broadcast %sign3A_47 : i32 to vector<64x16xi32>
    %sign3A_49 = arith.cmpi slt, %iota3A_38, %sign3A_48 : vector<64x16xi32>
    %sign3A_50 = arith.extui %sign3A_49 : vector<64x16xi1> to vector<64x16xi32>
    %sign3A_51 = arith.subi %sign3A_46, %sign3A_50 : vector<64x16xi32>
    %sign3A_52 = arith.constant 0 : i32
    %sign3A_53 = arith.cmpi sgt, %jit3A_40, %sign3A_52 : i32
    %sign3A_54 = arith.extui %sign3A_53 : i1 to i32
    %sign3A_55 = arith.constant 0 : i32
    %sign3A_56 = arith.cmpi slt, %jit3A_40, %sign3A_55 : i32
    %sign3A_57 = arith.extui %sign3A_56 : i1 to i32
    %sign3A_58 = arith.subi %sign3A_54, %sign3A_57 : i32
    %ne3A_59 = vector.broadcast %sign3A_58 : i32 to vector<64x16xi32>
    %ne3A_60 = arith.cmpi ne, %sign3A_51, %ne3A_59 : vector<64x16xi32>
    %rem3A_61 = vector.broadcast %jit3A_40 : i32 to vector<64x16xi32>
    %rem3A_62 = arith.remsi %iota3A_38, %rem3A_61 : vector<64x16xi32>
    %ne3A_63 = arith.constant 0 : i32
    %ne3A_64 = vector.broadcast %ne3A_63 : i32 to vector<64x16xi32>
    %ne3A_65 = arith.cmpi ne, %rem3A_62, %ne3A_64 : vector<64x16xi32>
    %and3A_66 = arith.andi %ne3A_60, %ne3A_65 : vector<64x16xi1>
    %sub3A_67 = arith.constant 1 : i32
    %sub3A_68 = vector.broadcast %sub3A_67 : i32 to vector<64x16xi32>
    %sub3A_69 = arith.subi %div3A_42, %sub3A_68 : vector<64x16xi32>
    %select_n3A_70 = arith.select %and3A_66, %sub3A_69, %div3A_42 : vector<64x16xi1>, vector<64x16xi32>
    %eq3A_71 = arith.cmpi eq, %iota3A_39, %select_n3A_70 : vector<64x16xi32>
    %convert_element_type3A_72 = arith.extui %eq3A_71 : vector<64x16xi1> to vector<64x16xi32>
    %convert_element_type3A_73 = arith.sitofp %convert_element_type3A_72 : vector<64x16xi32> to vector<64x16xf32>
    %dot_general3A_74 = arith.constant dense<0.000000e+00> : vector<1280x80xf32>
    %dot_general3A_75 = tpu.matmul %dot_general3A_5, %convert_element_type3A_7, %dot_general3A_74 {dimension_numbers = #tpu.dot_dimension_numbers<[1], [0], [0], [1], [0, 0, 1, 1], [], []>, precision = #tpu.contract_precision<fp32>, transpose_lhs_hint = false} : vector<1280x64xf32>, vector<64x80xf32>, vector<1280x80xf32> -> vector<1280x80xf32>
    %get3A_76 = arith.constant 0 : index
    %get3A_77 = arith.constant 0 : index
    %get3A_78 = vector.load %arg3[%get3A_76, %get3A_77] : memref<1x64xf32, #tpu.memory_space<vmem>>, vector<1x64xf32>
    %mul3A = vector.broadcast %get3A_78 : vector<1x64xf32> to vector<1280x64xf32>
    %mul3A_79 = arith.mulf %dot_general3A_5, %mul3A : vector<1280x64xf32>
    %dot_general3A_80 = arith.constant dense<0.000000e+00> : vector<1280x80xf32>
    %dot_general3A_81 = tpu.matmul %mul3A_79, %convert_element_type3A_37, %dot_general3A_80 {dimension_numbers = #tpu.dot_dimension_numbers<[1], [0], [0], [1], [0, 0, 1, 1], [], []>, precision = #tpu.contract_precision<fp32>, transpose_lhs_hint = false} : vector<1280x64xf32>, vector<64x80xf32>, vector<1280x80xf32> -> vector<1280x80xf32>
    %add3A_82 = arith.addf %dot_general3A_75, %dot_general3A_81 : vector<1280x80xf32>
    %swap3A = arith.constant 0 : index
    %swap3A_83 = arith.constant 0 : index
    %swap3A_84 = vector.load %arg5[%swap3A, %swap3A_83] : memref<1280x80xf32, #tpu.memory_space<vmem>>, vector<1280x80xf32>
    tpu.vector_store %arg5[%swap3A, %swap3A_83], %add3A_82 {strides = array<i32>} : memref<1280x80xf32, #tpu.memory_space<vmem>>, vector<1280x80xf32>,
    %get3A_85 = arith.constant 0 : index
    %get3A_86 = arith.constant 0 : index
    %get3A_87 = vector.load %arg4[%get3A_85, %get3A_86] : memref<1x64xf32, #tpu.memory_space<vmem>>, vector<1x64xf32>
    %mul3A_88 = vector.broadcast %get3A_87 : vector<1x64xf32> to vector<1280x64xf32>
    %mul3A_89 = arith.mulf %dot_general3A_5, %mul3A_88 : vector<1280x64xf32>
    %dot_general3A_90 = arith.constant dense<0.000000e+00> : vector<1280x16xf32>
    %dot_general3A_91 = tpu.matmul %mul3A_89, %convert_element_type3A_73, %dot_general3A_90 {dimension_numbers = #tpu.dot_dimension_numbers<[1], [0], [0], [1], [0, 0, 1, 1], [], []>, precision = #tpu.contract_precision<fp32>, transpose_lhs_hint = false} : vector<1280x64xf32>, vector<64x16xf32>, vector<1280x16xf32> -> vector<1280x16xf32>
    %swap3A_92 = arith.constant 0 : index
    %swap3A_93 = arith.constant 0 : index
    %swap3A_94 = vector.load %arg6[%swap3A_92, %swap3A_93] : memref<1280x16xf32, #tpu.memory_space<vmem>>, vector<1280x16xf32>
    tpu.vector_store %arg6[%swap3A_92, %swap3A_93], %dot_general3A_91 {strides = array<i32>} : memref<1280x16xf32, #tpu.memory_space<vmem>>, vector<1280x16xf32>,
    return
  }
  func.func @transform_0(%arg0: i32) -> (i32, i32) {
    %c0_i32 = arith.constant 0 : i32
    %c0_i32_0 = arith.constant 0 : i32
    return %arg0, %c0_i32 : i32, i32
  }
  func.func @transform_1(%arg0: i32) -> (i32, i32) {
    %c0_i32 = arith.constant 0 : i32
    %c0_i32_0 = arith.constant 0 : i32
    %c0_i32_1 = arith.constant 0 : i32
    return %c0_i32, %c0_i32_0 : i32, i32
  }
  func.func @transform_2(%arg0: i32) -> (i32, i32) {
    %c0_i32 = arith.constant 0 : i32
    %c0_i32_0 = arith.constant 0 : i32
    %c0_i32_1 = arith.constant 0 : i32
    return %c0_i32, %c0_i32_0 : i32, i32
  }
  func.func @transform_3(%arg0: i32) -> (i32, i32) {
    %c0_i32 = arith.constant 0 : i32
    %c0_i32_0 = arith.constant 0 : i32
    %c0_i32_1 = arith.constant 0 : i32
    return %c0_i32, %c0_i32_0 : i32, i32
  }
  func.func @transform_4(%arg0: i32) -> (i32, i32) {
    %c0_i32 = arith.constant 0 : i32
    %c0_i32_0 = arith.constant 0 : i32
    return %arg0, %c0_i32 : i32, i32
  }
  func.func @transform_5(%arg0: i32) -> (i32, i32) {
    %c0_i32 = arith.constant 0 : i32
    %c0_i32_0 = arith.constant 0 : i32
    return %arg0, %c0_i32 : i32, i32
  }
}

module attributes {stable_mosaic.version = 14 : i64} {
  func.func @_head_block(%arg0: i32, %arg1: memref<1280x64xf32, #tpu.memory_space<vmem>>, %arg2: memref<64x32xf32, #tpu.memory_space<vmem>>, %arg3: memref<1x32xf32, #tpu.memory_space<vmem>>, %arg4: memref<1x32xf32, #tpu.memory_space<vmem>>, %arg5: memref<1x32xf32, #tpu.memory_space<vmem>>, %arg6: memref<32x16xf32, #tpu.memory_space<vmem>>, %arg7: memref<1x16xf32, #tpu.memory_space<vmem>>, %arg8: memref<1x16xf32, #tpu.memory_space<vmem>>, %arg9: memref<1x16xf32, #tpu.memory_space<vmem>>, %arg10: memref<16x8xf32, #tpu.memory_space<vmem>>, %arg11: memref<1x8xf32, #tpu.memory_space<vmem>>, %arg12: memref<1x8xf32, #tpu.memory_space<vmem>>, %arg13: memref<1x8xf32, #tpu.memory_space<vmem>>, %arg14: memref<8x8xf32, #tpu.memory_space<vmem>>, %arg15: memref<1x8xf32, #tpu.memory_space<vmem>>, %arg16: memref<1280x8xf32, #tpu.memory_space<vmem>>) attributes {dimension_semantics = [#tpu.dimension_semantics<arbitrary>], iteration_bounds = array<i64: 8>, scalar_prefetch = 0 : i64, scratch_operands = 0 : i64, tpu.core_type = #tpu.core_type<tc>, window_params = [{transform_indices = @transform_0, window_bounds = array<i64: 1280, 64>}, {pipeline_mode = #tpu.pipeline_mode<synchronous>, transform_indices = @transform_1, window_bounds = array<i64: 64, 32>}, {pipeline_mode = #tpu.pipeline_mode<synchronous>, transform_indices = @transform_2, window_bounds = array<i64: 1, 32>}, {pipeline_mode = #tpu.pipeline_mode<synchronous>, transform_indices = @transform_3, window_bounds = array<i64: 1, 32>}, {pipeline_mode = #tpu.pipeline_mode<synchronous>, transform_indices = @transform_4, window_bounds = array<i64: 1, 32>}, {pipeline_mode = #tpu.pipeline_mode<synchronous>, transform_indices = @transform_5, window_bounds = array<i64: 32, 16>}, {pipeline_mode = #tpu.pipeline_mode<synchronous>, transform_indices = @transform_6, window_bounds = array<i64: 1, 16>}, {pipeline_mode = #tpu.pipeline_mode<synchronous>, transform_indices = @transform_7, window_bounds = array<i64: 1, 16>}, {pipeline_mode = #tpu.pipeline_mode<synchronous>, transform_indices = @transform_8, window_bounds = array<i64: 1, 16>}, {pipeline_mode = #tpu.pipeline_mode<synchronous>, transform_indices = @transform_9, window_bounds = array<i64: 16, 8>}, {pipeline_mode = #tpu.pipeline_mode<synchronous>, transform_indices = @transform_10, window_bounds = array<i64: 1, 8>}, {pipeline_mode = #tpu.pipeline_mode<synchronous>, transform_indices = @transform_11, window_bounds = array<i64: 1, 8>}, {pipeline_mode = #tpu.pipeline_mode<synchronous>, transform_indices = @transform_12, window_bounds = array<i64: 1, 8>}, {pipeline_mode = #tpu.pipeline_mode<synchronous>, transform_indices = @transform_13, window_bounds = array<i64: 8, 8>}, {pipeline_mode = #tpu.pipeline_mode<synchronous>, transform_indices = @transform_14, window_bounds = array<i64: 1, 8>}, {transform_indices = @transform_15, window_bounds = array<i64: 1280, 8>}]} {
    %get3A = arith.constant 0 : index
    %get3A_0 = arith.constant 0 : index
    %get3A_1 = vector.load %arg1[%get3A, %get3A_0] : memref<1280x64xf32, #tpu.memory_space<vmem>>, vector<1280x64xf32>
    %get3A_2 = arith.constant 0 : index
    %get3A_3 = arith.constant 0 : index
    %get3A_4 = vector.load %arg2[%get3A_2, %get3A_3] : memref<64x32xf32, #tpu.memory_space<vmem>>, vector<64x32xf32>
    %dot_general3A = arith.constant dense<0.000000e+00> : vector<1280x32xf32>
    %dot_general3A_5 = tpu.matmul %get3A_1, %get3A_4, %dot_general3A {dimension_numbers = #tpu.dot_dimension_numbers<[1], [0], [0], [1], [0, 0, 1, 1], [], []>, transpose_lhs_hint = false} : vector<1280x64xf32>, vector<64x32xf32>, vector<1280x32xf32> -> vector<1280x32xf32>
    %get3A_6 = arith.constant 0 : index
    %get3A_7 = arith.constant 0 : index
    %get3A_8 = vector.load %arg3[%get3A_6, %get3A_7] : memref<1x32xf32, #tpu.memory_space<vmem>>, vector<1x32xf32>
    %add3A = vector.broadcast %get3A_8 : vector<1x32xf32> to vector<1280x32xf32>
    %add3A_9 = arith.addf %dot_general3A_5, %add3A : vector<1280x32xf32>
    %max3A = arith.constant 0.000000e+00 : f32
    %max3A_10 = vector.broadcast %max3A : f32 to vector<1280x32xf32>
    %max3A_11 = arith.maximumf %add3A_9, %max3A_10 : vector<1280x32xf32>
    %get3A_12 = arith.constant 0 : index
    %get3A_13 = arith.constant 0 : index
    %get3A_14 = vector.load %arg4[%get3A_12, %get3A_13] : memref<1x32xf32, #tpu.memory_space<vmem>>, vector<1x32xf32>
    %mul3A = vector.broadcast %get3A_14 : vector<1x32xf32> to vector<1280x32xf32>
    %mul3A_15 = arith.mulf %mul3A, %max3A_11 : vector<1280x32xf32>
    %mul3A_16 = arith.constant 0.999994993 : f32
    %mul3A_17 = vector.broadcast %mul3A_16 : f32 to vector<1280x32xf32>
    %mul3A_18 = arith.mulf %mul3A_15, %mul3A_17 : vector<1280x32xf32>
    %get3A_19 = arith.constant 0 : index
    %get3A_20 = arith.constant 0 : index
    %get3A_21 = vector.load %arg5[%get3A_19, %get3A_20] : memref<1x32xf32, #tpu.memory_space<vmem>>, vector<1x32xf32>
    %add3A_22 = vector.broadcast %get3A_21 : vector<1x32xf32> to vector<1280x32xf32>
    %add3A_23 = arith.addf %mul3A_18, %add3A_22 : vector<1280x32xf32>
    %get3A_24 = arith.constant 0 : index
    %get3A_25 = arith.constant 0 : index
    %get3A_26 = vector.load %arg6[%get3A_24, %get3A_25] : memref<32x16xf32, #tpu.memory_space<vmem>>, vector<32x16xf32>
    %dot_general3A_27 = arith.constant dense<0.000000e+00> : vector<1280x16xf32>
    %dot_general3A_28 = tpu.matmul %add3A_23, %get3A_26, %dot_general3A_27 {dimension_numbers = #tpu.dot_dimension_numbers<[1], [0], [0], [1], [0, 0, 1, 1], [], []>, transpose_lhs_hint = false} : vector<1280x32xf32>, vector<32x16xf32>, vector<1280x16xf32> -> vector<1280x16xf32>
    %get3A_29 = arith.constant 0 : index
    %get3A_30 = arith.constant 0 : index
    %get3A_31 = vector.load %arg7[%get3A_29, %get3A_30] : memref<1x16xf32, #tpu.memory_space<vmem>>, vector<1x16xf32>
    %add3A_32 = vector.broadcast %get3A_31 : vector<1x16xf32> to vector<1280x16xf32>
    %add3A_33 = arith.addf %dot_general3A_28, %add3A_32 : vector<1280x16xf32>
    %max3A_34 = arith.constant 0.000000e+00 : f32
    %max3A_35 = vector.broadcast %max3A_34 : f32 to vector<1280x16xf32>
    %max3A_36 = arith.maximumf %add3A_33, %max3A_35 : vector<1280x16xf32>
    %get3A_37 = arith.constant 0 : index
    %get3A_38 = arith.constant 0 : index
    %get3A_39 = vector.load %arg8[%get3A_37, %get3A_38] : memref<1x16xf32, #tpu.memory_space<vmem>>, vector<1x16xf32>
    %mul3A_40 = vector.broadcast %get3A_39 : vector<1x16xf32> to vector<1280x16xf32>
    %mul3A_41 = arith.mulf %mul3A_40, %max3A_36 : vector<1280x16xf32>
    %mul3A_42 = arith.constant 0.999994993 : f32
    %mul3A_43 = vector.broadcast %mul3A_42 : f32 to vector<1280x16xf32>
    %mul3A_44 = arith.mulf %mul3A_41, %mul3A_43 : vector<1280x16xf32>
    %get3A_45 = arith.constant 0 : index
    %get3A_46 = arith.constant 0 : index
    %get3A_47 = vector.load %arg9[%get3A_45, %get3A_46] : memref<1x16xf32, #tpu.memory_space<vmem>>, vector<1x16xf32>
    %add3A_48 = vector.broadcast %get3A_47 : vector<1x16xf32> to vector<1280x16xf32>
    %add3A_49 = arith.addf %mul3A_44, %add3A_48 : vector<1280x16xf32>
    %get3A_50 = arith.constant 0 : index
    %get3A_51 = arith.constant 0 : index
    %get3A_52 = vector.load %arg10[%get3A_50, %get3A_51] : memref<16x8xf32, #tpu.memory_space<vmem>>, vector<16x8xf32>
    %dot_general3A_53 = arith.constant dense<0.000000e+00> : vector<1280x8xf32>
    %dot_general3A_54 = tpu.matmul %add3A_49, %get3A_52, %dot_general3A_53 {dimension_numbers = #tpu.dot_dimension_numbers<[1], [0], [0], [1], [0, 0, 1, 1], [], []>, transpose_lhs_hint = false} : vector<1280x16xf32>, vector<16x8xf32>, vector<1280x8xf32> -> vector<1280x8xf32>
    %get3A_55 = arith.constant 0 : index
    %get3A_56 = arith.constant 0 : index
    %get3A_57 = vector.load %arg11[%get3A_55, %get3A_56] : memref<1x8xf32, #tpu.memory_space<vmem>>, vector<1x8xf32>
    %add3A_58 = vector.broadcast %get3A_57 : vector<1x8xf32> to vector<1280x8xf32>
    %add3A_59 = arith.addf %dot_general3A_54, %add3A_58 : vector<1280x8xf32>
    %max3A_60 = arith.constant 0.000000e+00 : f32
    %max3A_61 = vector.broadcast %max3A_60 : f32 to vector<1280x8xf32>
    %max3A_62 = arith.maximumf %add3A_59, %max3A_61 : vector<1280x8xf32>
    %get3A_63 = arith.constant 0 : index
    %get3A_64 = arith.constant 0 : index
    %get3A_65 = vector.load %arg12[%get3A_63, %get3A_64] : memref<1x8xf32, #tpu.memory_space<vmem>>, vector<1x8xf32>
    %mul3A_66 = vector.broadcast %get3A_65 : vector<1x8xf32> to vector<1280x8xf32>
    %mul3A_67 = arith.mulf %mul3A_66, %max3A_62 : vector<1280x8xf32>
    %mul3A_68 = arith.constant 0.999994993 : f32
    %mul3A_69 = vector.broadcast %mul3A_68 : f32 to vector<1280x8xf32>
    %mul3A_70 = arith.mulf %mul3A_67, %mul3A_69 : vector<1280x8xf32>
    %get3A_71 = arith.constant 0 : index
    %get3A_72 = arith.constant 0 : index
    %get3A_73 = vector.load %arg13[%get3A_71, %get3A_72] : memref<1x8xf32, #tpu.memory_space<vmem>>, vector<1x8xf32>
    %add3A_74 = vector.broadcast %get3A_73 : vector<1x8xf32> to vector<1280x8xf32>
    %add3A_75 = arith.addf %mul3A_70, %add3A_74 : vector<1280x8xf32>
    %get3A_76 = arith.constant 0 : index
    %get3A_77 = arith.constant 0 : index
    %get3A_78 = vector.load %arg14[%get3A_76, %get3A_77] : memref<8x8xf32, #tpu.memory_space<vmem>>, vector<8x8xf32>
    %dot_general3A_79 = arith.constant dense<0.000000e+00> : vector<1280x8xf32>
    %dot_general3A_80 = tpu.matmul %add3A_75, %get3A_78, %dot_general3A_79 {dimension_numbers = #tpu.dot_dimension_numbers<[1], [0], [0], [1], [0, 0, 1, 1], [], []>, transpose_lhs_hint = false} : vector<1280x8xf32>, vector<8x8xf32>, vector<1280x8xf32> -> vector<1280x8xf32>
    %get3A_81 = arith.constant 0 : index
    %get3A_82 = arith.constant 0 : index
    %get3A_83 = vector.load %arg15[%get3A_81, %get3A_82] : memref<1x8xf32, #tpu.memory_space<vmem>>, vector<1x8xf32>
    %add3A_84 = vector.broadcast %get3A_83 : vector<1x8xf32> to vector<1280x8xf32>
    %add3A_85 = arith.addf %dot_general3A_80, %add3A_84 : vector<1280x8xf32>
    %swap3A = arith.constant 0 : index
    %swap3A_86 = arith.constant 0 : index
    %swap3A_87 = vector.load %arg16[%swap3A, %swap3A_86] : memref<1280x8xf32, #tpu.memory_space<vmem>>, vector<1280x8xf32>
    tpu.vector_store %arg16[%swap3A, %swap3A_86], %add3A_85 {strides = array<i32>} : memref<1280x8xf32, #tpu.memory_space<vmem>>, vector<1280x8xf32>,
    return
  }
  func.func @transform_0(%arg0: i32) -> (i32, i32) {
    %c0_i32 = arith.constant 0 : i32
    %c0_i32_0 = arith.constant 0 : i32
    return %arg0, %c0_i32 : i32, i32
  }
  func.func @transform_1(%arg0: i32) -> (i32, i32) {
    %c0_i32 = arith.constant 0 : i32
    %c0_i32_0 = arith.constant 0 : i32
    %c0_i32_1 = arith.constant 0 : i32
    return %c0_i32, %c0_i32_0 : i32, i32
  }
  func.func @transform_2(%arg0: i32) -> (i32, i32) {
    %c0_i32 = arith.constant 0 : i32
    %c0_i32_0 = arith.constant 0 : i32
    %c0_i32_1 = arith.constant 0 : i32
    return %c0_i32, %c0_i32_0 : i32, i32
  }
  func.func @transform_3(%arg0: i32) -> (i32, i32) {
    %c0_i32 = arith.constant 0 : i32
    %c0_i32_0 = arith.constant 0 : i32
    %c0_i32_1 = arith.constant 0 : i32
    return %c0_i32, %c0_i32_0 : i32, i32
  }
  func.func @transform_4(%arg0: i32) -> (i32, i32) {
    %c0_i32 = arith.constant 0 : i32
    %c0_i32_0 = arith.constant 0 : i32
    %c0_i32_1 = arith.constant 0 : i32
    return %c0_i32, %c0_i32_0 : i32, i32
  }
  func.func @transform_5(%arg0: i32) -> (i32, i32) {
    %c0_i32 = arith.constant 0 : i32
    %c0_i32_0 = arith.constant 0 : i32
    %c0_i32_1 = arith.constant 0 : i32
    return %c0_i32, %c0_i32_0 : i32, i32
  }
  func.func @transform_6(%arg0: i32) -> (i32, i32) {
    %c0_i32 = arith.constant 0 : i32
    %c0_i32_0 = arith.constant 0 : i32
    %c0_i32_1 = arith.constant 0 : i32
    return %c0_i32, %c0_i32_0 : i32, i32
  }
  func.func @transform_7(%arg0: i32) -> (i32, i32) {
    %c0_i32 = arith.constant 0 : i32
    %c0_i32_0 = arith.constant 0 : i32
    %c0_i32_1 = arith.constant 0 : i32
    return %c0_i32, %c0_i32_0 : i32, i32
  }
  func.func @transform_8(%arg0: i32) -> (i32, i32) {
    %c0_i32 = arith.constant 0 : i32
    %c0_i32_0 = arith.constant 0 : i32
    %c0_i32_1 = arith.constant 0 : i32
    return %c0_i32, %c0_i32_0 : i32, i32
  }
  func.func @transform_9(%arg0: i32) -> (i32, i32) {
    %c0_i32 = arith.constant 0 : i32
    %c0_i32_0 = arith.constant 0 : i32
    %c0_i32_1 = arith.constant 0 : i32
    return %c0_i32, %c0_i32_0 : i32, i32
  }
  func.func @transform_10(%arg0: i32) -> (i32, i32) {
    %c0_i32 = arith.constant 0 : i32
    %c0_i32_0 = arith.constant 0 : i32
    %c0_i32_1 = arith.constant 0 : i32
    return %c0_i32, %c0_i32_0 : i32, i32
  }
  func.func @transform_11(%arg0: i32) -> (i32, i32) {
    %c0_i32 = arith.constant 0 : i32
    %c0_i32_0 = arith.constant 0 : i32
    %c0_i32_1 = arith.constant 0 : i32
    return %c0_i32, %c0_i32_0 : i32, i32
  }
  func.func @transform_12(%arg0: i32) -> (i32, i32) {
    %c0_i32 = arith.constant 0 : i32
    %c0_i32_0 = arith.constant 0 : i32
    %c0_i32_1 = arith.constant 0 : i32
    return %c0_i32, %c0_i32_0 : i32, i32
  }
  func.func @transform_13(%arg0: i32) -> (i32, i32) {
    %c0_i32 = arith.constant 0 : i32
    %c0_i32_0 = arith.constant 0 : i32
    %c0_i32_1 = arith.constant 0 : i32
    return %c0_i32, %c0_i32_0 : i32, i32
  }
  func.func @transform_14(%arg0: i32) -> (i32, i32) {
    %c0_i32 = arith.constant 0 : i32
    %c0_i32_0 = arith.constant 0 : i32
    %c0_i32_1 = arith.constant 0 : i32
    return %c0_i32, %c0_i32_0 : i32, i32
  }
  func.func @transform_15(%arg0: i32) -> (i32, i32) {
    %c0_i32 = arith.constant 0 : i32
    %c0_i32_0 = arith.constant 0 : i32
    return %arg0, %c0_i32 : i32, i32
  }
}

</mosaic_0001>

<sc_bundles>
// kernel: kernel.12.cloned.1.call-start
scs
__scs_entry_jumppad:
0x0: {  	(pc) =	sbr.rel $0x88, $3  }
0x1: {  	(tag) =	ssettag $0x0;
	lr =	simm.s32 $0x1  }
0x2: {  	[smem:$0x3F89] =	sst lr;
	_ =	strace $0xD0000000  }
0x3: {  	_ = 	snop  }
0x4: {  	_ = 	snop  }
0x5: {  	_ = 	snop  }
0x6: {  	_ = 	snop  }
0x7: {  	_ = 	snop  }
__scs_overlays_trampoline_lowered:
0x8: {  	[smem:$0x3F98] =	sst s0  }
0x9: {  	[smem:$0x3F99] =	sst s1  }
0xa: {  	[smem:$0x3F9A] =	sst s2  }
0xb: {  	[smem:$0x3F9B] =	sst s3  }
0xc: {  	[smem:$0x3F9C] =	sst s4  }
0xd: {  	[smem:$0x3F9D] =	sst s5  }
0xe: {  	[smem:$0x3F9E] =	sst s6  }
0xf: {  	[smem:$0x3F9F] =	sst s7  }
0x10: {  	[smem:$0x3FA0] =	sst s8  }
0x11: {  	[smem:$0x3FA1] =	sst s9;
	s0 =	simm.s32 @!p0 $0x0  }
0x12: {  	s1 =	sld [smem:$0x3F87];
	s0 =	simm.s32 @p0 $0x1  }
0x13: {  	[smem:$0x3FA2] =	sst s0;
	s0 =	simm.s32 @!p1 $0x0  }
0x14: {  	s2 =	sld [smem:$0x3F86];
	s0 =	simm.s32 @p1 $0x1  }
0x15: {  	[smem:$0x3FA3] =	sst s0;
	s0 =	simm.s32 @!p2 $0x0  }
0x16: {  	s3 =	sld [smem:$0x3FDB];
	s0 =	simm.s32 @p2 $0x1  }
0x17: {  	s4 =	simm.s32 $0x1BF5;
	[smem:$0x3FA5] =	sst s0  }
0x18: {  	s0 =	sld [smem:$0x3F88];
	_ =	swait.ge [sflag:s4], $0x0  }
0x19: {  	s7 =	sld [smem:$0x3F89]  }
0x1a: {  	s8 =	sadd.s32 $0xFFFFE003, lr  }
0x1b: {  	s9 =	sadd.s32 $0xFFFFFEF7, lr;
	s5 =	simm.s32 $0xFFFFFFFF;
	p2 =	slt.u32 s8, $0xFFFFF086  }
0x1c: {  	p1 =	slt.u32 s9, $0xF7A;
	s5 =	simm.s32 @!p2 $0x0  }
0x1d: {  	s5 =	simm.s32 @p1 $0x1;
	p0 =	seq.s32 s7, s2  }
0x1e: {  	s7 =	smul.u32 @!p0 $0xF7A, s2;
	p2 =	seq.s32 @!p0 s5, $0x0  }
0x1f: {  	s9 =	smul.u32 $0xF7A, s1;
	s8 =	simm.s32 @!p0 $0x1BF5;
	p2 =	por !p2, p0  }
0x20: {  	[sflag:s8] =	ssyncset.s32 @!p0 $0xFFFFF086;
	s6 =	sadd.s32 @!p0 s3, s7;
	s7 =	simm.s32 @!p0 $0x108  }
0x21: {  	s3 =	sadd.s32 s3, s9;
	s6 =	sadd.s32 @!p0 $0x88, s6;
	s7 =	simm.s32 @p2 $0x1082  }
0x22: {  	[simem:s7], [sflag:s8] =	dma.local @!p0 [hbm:s6], $0xF7A  }
0x23: {  	s9 =	sor.u32 $0xD0000000, s2;
	s6 =	simm.s32 $0x108;
	_ =	swait.ge @!p0 [sflag:s8], $0x0  }
0x24: {  	s3 =	sadd.s32 $0x88, s3;
	s6 =	simm.s32 @!p1 $0x1082;
	[sflag:s4] =	ssyncset.s32 $0xFFFFF086  }
0x25: {  	[simem:s6], [sflag:s4] =	dma.local [hbm:s3], $0xF7A  }
0x26: {  	[smem:$0x3F89] =	sst s1;
	(tag) =	ssettag s2;
	_ =	strace s9  }
0x27: {  	s1 =	sld [smem:$0x3F99]  }
0x28: {  	s2 =	sld [smem:$0x3F9A]  }
0x29: {  	s4 =	sld [smem:$0x3F9C]  }
0x2a: {  	p0 =	seq.s32 s5, $0x0;
	s5 =	sld [smem:$0x3F9D]  }
0x2b: {  	s6 =	sld [smem:$0x3F9E]  }
0x2c: {  	s7 =	sld [smem:$0x3F9F]  }
0x2d: {  	s3 =	simm.s32 $0x108;
	s8 =	sld [smem:$0x3FA0]  }
0x2e: {  	s3 =	simm.s32 @!p0 $0x1082;
	s9 =	sld [smem:$0x3FA1]  }
0x2f: {  	lr =	sadd.s32 s0, s3;
	s0 =	sld [smem:$0x3F98]  }
0x30: {  	s3 =	sld [smem:$0x3F9B]  }
0x31: {  	[smem:$0x3FA4] =	sst s10  }
0x32: {  	s10 =	sld [smem:$0x3FA2];
	_ =	sdelay $0x3  }
0x33: {  	p0 =	seq.s32 s10, $0x1;
	s10 =	sld [smem:$0x3FA4];
	_ =	sdelay $0x3  }
0x34: {  	[smem:$0x3FA4] =	sst s10  }
0x35: {  	s10 =	sld [smem:$0x3FA3];
	_ =	sdelay $0x3  }
0x36: {  	p1 =	seq.s32 s10, $0x1;
	s10 =	sld [smem:$0x3FA4];
	_ =	sdelay $0x3  }
0x37: {  	[smem:$0x3FA4] =	sst s10  }
0x38: {  	s10 =	sld [smem:$0x3FA5]  }
0x39: {  	_ = 	snop;
	(pc) =	sbr.ind lr, $3  }
0x3a: {  	_ = 	snop  }
0x3b: {  	_ = 	snop  }
0x3c: {  	p2 =	seq.s32 s10, $0x1;
	s10 =	sld [smem:$0x3FA4]  }
0x3d: {  	_ =	shalt  }
0x3e: {  	_ =	shalt  }
0x3f: {  	_ =	shalt  }
0x40: {  	_ =	shalt  }
0x41: {  	_ =	shalt  }
0x42: {  	_ =	shalt  }
0x43: {  	_ =	shalt  }
0x44: {  	_ =	shalt  }
0x45: {  	_ =	shalt  }
0x46: {  	_ =	shalt  }
0x47: {  	_ =	shalt  }
0x48: {  	_ =	shalt  }
0x49: {  	_ =	shalt  }
0x4a: {  	_ =	shalt  }
0x4b: {  	_ =	shalt  }
0x4c: {  	_ =	shalt  }
0x4d: {  	_ =	shalt  }
0x4e: {  	_ =	shalt  }
0x4f: {  	_ =	shalt  }
0x50: {  	_ =	shalt  }
0x51: {  	_ =	shalt  }
0x52: {  	_ =	shalt  }
0x53: {  	_ =	shalt  }
0x54: {  	_ =	shalt  }
0x55: {  	_ =	shalt  }
0x56: {  	_ =	shalt  }
0x57: {  	_ =	shalt  }
0x58: {  	_ =	shalt  }
0x59: {  	_ =	shalt  }
0x5a: {  	_ =	shalt  }
0x5b: {  	_ =	shalt  }
0x5c: {  	_ =	shalt  }
0x5d: {  	_ =	shalt  }
0x5e: {  	_ =	shalt  }
0x5f: {  	_ =	shalt  }
0x60: {  	_ =	shalt  }
0x61: {  	_ =	shalt  }
0x62: {  	_ =	shalt  }
0x63: {  	_ =	shalt  }
0x64: {  	_ =	shalt  }
0x65: {  	_ =	shalt  }
0x66: {  	_ =	shalt  }
0x67: {  	_ =	shalt  }
0x68: {  	_ =	shalt  }
0x69: {  	_ =	shalt  }
0x6a: {  	_ =	shalt  }
0x6b: {  	_ =	shalt  }
0x6c: {  	_ =	shalt  }
0x6d: {  	_ =	shalt  }
0x6e: {  	_ =	shalt  }
0x6f: {  	_ =	shalt  }
0x70: {  	_ =	shalt  }
0x71: {  	_ =	shalt  }
0x72: {  	_ =	shalt  }
0x73: {  	_ =	shalt  }
0x74: {  	_ =	shalt  }
0x75: {  	_ =	shalt  }
0x76: {  	_ =	shalt  }
0x77: {  	_ =	shalt  }
0x78: {  	_ =	shalt  }
0x79: {  	_ =	shalt  }
0x7a: {  	_ =	shalt  }
0x7b: {  	_ =	shalt  }
0x7c: {  	_ =	shalt  }
0x7d: {  	_ =	shalt  }
0x7e: {  	_ =	shalt  }
0x7f: {  	_ =	shalt  }
0x80: {  	_ =	shalt  }
0x81: {  	_ =	shalt  }
0x82: {  	_ =	shalt  }
0x83: {  	_ =	shalt  }
0x84: {  	_ =	shalt  }
0x85: {  	_ =	shalt  }
0x86: {  	_ =	shalt  }
0x87: {  	_ =	shalt  }
.Lfunc_end0:
.L_simem_size_0:
called_computation.1_lowered:
.L_overlay_start_0:
0x88: {  	s2 =	sld [smem:$0x3FD9]  }
0x89: {  	s3 =	sld [smem:$0x3FFE];
	_ =	sdelay $0x1  }
0x8a: {  	s1 =	srdreg.scid  }
0x8b: {  	s0 =	sand.u32 $0x1, s1  }
0x8c: {  	s17 =	sshll.u32 s0, $0xA;
	s2 =	sadd.s32 s3, s2  }
0x8d: {  	s2 =	sadd.s32 s2, s17  }
0x8e: {  	[smem:$0x3FB0] =	sst s2  }
0x8f: {  	_ = 	snop  }
0x90: {  	s2 =	sld [smem:$0x3FD0];
	(tm) =	ssettm $0x1  }
0x91: {  	s18 =	sld [smem:$0x3FFB];
	_ =	sdelay $0x3  }
0x92: {  	_ =	strace s18  }
0x93: {  	s3 =	sld [smem:$0x3FFC];
	_ =	sdelay $0x3  }
0x94: {  	_ =	strace s3  }
0x95: {  	s3 =	sld [smem:$0x3FFD];
	_ =	sdelay $0x3  }
0x96: {  	_ =	strace s3  }
0x97: {  	_ =	strace $0x8FFFFFFF  }
0x98: {  	s19 =	sld [smem:$0x3FDB];
	_ =	sdelay $0x1  }
0x99: {  	s4 =	simm.s32 $_scs_section_size  }
0x9a: {  	s5 =	simm.s32 $_size__tile_overlayer_lowered;
	s6 =	simm.s32 $_tile_overlayer_lowered  }
0x9b: {  	s22 =	simm.s32 $0x1BFF;
	s21 =	sshll.u32 s6, $0x1;
	s3 =	sadd.s32 s4, s19  }
0x9c: {  	s7 =	simm.s32 $0x0;
	s20 =	sshll.u32 s5, $0x1;
	s5 =	sadd.s32 s21, s3  }
0x9d: {  	[timem:s7], [sflag:s22] =	dma.local [hbm:s5], s20  }
0x9e: {  	_ =	swait.ge [sflag:s22], s20  }
0x9f: {  	s4 =	ssub.s32 $0x0, s20;
	[sflag:s22] =	ssyncset.done $0x0  }
0xa0: {  	[sflag:s22] =	ssyncadd.s32 s4;
	_ =	sdelay $0x1  }
0xa1: {  	s23 =	simm.s32 $0x1B8B  }
0xa2: {  	_ =	swait.ge [sflag:s23], $0x1  }
0xa3: {  	[sflag:s23] =	ssyncset.done $0x0  }
0xa4: {  	s25 =	simm.s32 $0x1B8E;
	s24 =	sld [smem:$0x3FFE];
	[sflag:s23] =	ssyncadd.s32 $0xFFFFFFFF  }
0xa5: {  	s26 =	simm.s32 $execute0_lowered;
	[smem:$0x3FD2] =	sst s25  }
0xa6: {  	s5 =	sshll.u32 s26, $0x1;
	_ =	strace $0x80000049;
	[dreg:$0x1] =	wrdreg $0xFFFFFFFF  }
0xa7: {  	s28 =	simm.s32 $_size_execute0_lowered;
	s3 =	sadd.s32 s3, s5;
	[dreg:$0x0] =	wrdreg $0x0  }
0xa8: {  	s5 =	sshll.u32 s28, $0x1;
	[dreg:$0x2] =	wrdreg s3  }
0xa9: {  	[dreg:$0x3] =	wrdreg s5  }
0xaa: {  	[dreg:$0x4] =	wrdreg $0xC0  }
0xab: {  	_ =	task [dreg:s7], $0x5FFFF  }
0xac: {  	[dreg:$0x1] =	wrdreg $0xFFFFFFFF  }
0xad: {  	[dreg:$0x0] =	wrdreg $0x60  }
0xae: {  	[dreg:$0x2] =	wrdreg s24  }
0xaf: {  	[dreg:$0x3] =	wrdreg s2  }
0xb0: {  	[dreg:$0x4] =	wrdreg $0xD1000  }
0xb1: {  	[dreg:$0x5] =	wrdreg $0x9  }
0xb2: {  	_ =	task.clear_ibuf [dreg:s7], $0x6FFFF;
	_ =	strace $0x90000049  }
0xb3: {  	s29 =	simm.s32 $0x9;
	_ =	strace $0x8000004B  }
0xb4: {  	_ =	swait.ge [sflag:s29], $0x1  }
0xb5: {  	[sflag:s29] =	ssyncadd.s32 $0xFFFFFFFF  }
0xb6: {  	_ =	strace $0x9000004B  }
0xb7: {  	_ =	sfence  }
0xb8: {  	s30 =	sld [smem:$0x0];
	_ =	sdelay $0x2  }
0xb9: {  	s31 =	sshll.u32 s1, $0xD;
	s1 =	sshrl.u32 s1, $0x2  }
0xba: {  	s3 =	sand.u32 $0x4000, s31;
	s1 =	sadd.s32 s1, s30  }
0xbb: {  	s0 =	sor.u32 s3, s0;
	s1 =	sshll.u32 s1, $0x11  }
0xbc: {  	s0 =	sor.u32 s1, s0  }
0xbd: {  	s0 =	sadd.s32 $0x8F2B, s0  }
0xbe: {  	[sflag:s0] =	ssyncadd.remote.s32 $0x1  }
0xbf: {  	_ =	sfence.sel $0xFFFF  }
0xc0: {  	[dreg:$0x0] =	wrdreg $0xFFFFFFFF;
	(pc) =	sbr.abs _section_cstart, $3  }
0xc1: {  	[dreg:$0x1] =	wrdreg $0xFFFFFFFF  }
0xc2: {  	_ =	task.clear_ibuf [dreg:s7], $0x2FFFF;
	_ =	strace $0x9FFFFFFF  }
0xc3: {  	(tm) =	ssettm $0x7FFFFFFF  }
tec
execute0_lowered:
.L_overlay_start_1:
0x0: {  	(tag) =	ssettag $0x1  }
0x1: {  	s7 =	rddreg [dreg:$0x0]  }
0x2: {  	s2 =	rddreg [dreg:$0x1]  }
0x3: {  	s3 =	rddreg [dreg:$0x2]  }
0x4: {  	s0 =	rddreg [dreg:$0x3];
	s5 =	srdreg.scid  }
0x5: {  	s1 =	stileid.u32;
	s4 =	simm.s32 $0x0;
	s14 =	simm.s32 $0x80  }
0x6: {  	s15 =	simm.s32 $0x5100;
	s16 =	simm.s32 $0x7900;
	s17 =	simm.s32 $0x1  }
0x7: {  	s18 =	simm.s32 $0x2;
	s19 =	simm.s32 $0x8100;
	s8 =	sand.u32 $0x1, s5  }
0x8: {  	s30 =	sshll.u32 s1, $0x1;
	[smem:$0x7FF] =	sst s4;
	s5 =	sadd.s32 $0x17A00, s7  }
0x9: {  	s12 =	smul.u32 $0xC800, s1;
	s31 =	sshll.u32 s1, $0x6;
	s6 =	sor.u32 s8, s30  }
0xa: {  	_ =	strace $0x8000004A;
	s10 =	smul.u32 $0x19000, s8;
	s8 =	ssub.s32 $0x2, s8  }
0xb: {  	s9 =	smul.u32 $0x510, s6;
	s6 =	sadd.s32 $0x30A00, s7;
	s11 =	sshrl.u32 s8, $0x1  }
0xc: {  	v2 =	vlaneseq.u32;
	s13 =	sadd.s32 s12, s3;
	s21 =	sshrl.u32 s12, $0x3;
	s12 =	simm.s32 $0x3  }
0xd: {  	v0 =	vimm.f32 $0.0e+00;
	v1 =	vshrl.u32 v2, $0x3;
	v2 =	vand.u32 $0x7, v2;
	s10 =	sadd.s32 s10, s7;
	s11 =	ssub.s32 s8, s11;
	s9 =	sadd.s32 s9, s7  }
0xe: {  	v4 =	vimm.s32 $0x0;
	v3 =	vor.u32 $0x40, v2;
	v5 =	vor.u32 $0x40, v1;
	s7 =	sor.u32 $0x1C03, s31;
	s20 =	sadd.s32 $0x35A00, s10;
	s10 =	smax.u32 s11, $0x1  }
0xf: {  	v6 =	vor.u32 $0x42, v1;
	v7 =	vor.u32 $0x44, v1;
	v8 =	vor.u32 $0x46, v1;
	s11 =	sshrl.u32 s13, $0x3;
	s13 =	simm.s32 $0x2880;
	s8 =	sadd.s32 $0xD800, s9  }
0x10: {  	v9 =	vor.u32 $0x2, v1;
	v10 =	vor.u32 $0x4, v1;
	v11 =	vor.u32 $0x6, v1;
	s9 =	sadd.s32 $0x3600, s9;
	s20 =	sadd.s32 s21, s20;
	s21 =	simm.s32 $0x0  }
.LBB2_1:
0x11: {  	[spmem:s11], [sflag:s7] =	dma.local [hbm:s2], $0x1900  }
0x12: {  	_ =	swait.ge [sflag:s12], $0x1900  }
0x13: {  	[sflag:s12] =	ssyncset.done $0x0  }
0x14: {  	[sflag:s12] =	ssyncadd.s32 $0xFFFFE700  }
0x15: {  	[tilespmem:s4], [sflag:$0x3] =	stream.linear.gather [hbm4b:s8+s4], $0x2880, $0x38;
	[tilespmem:$0x19900] =	vst v63  }
0x16: {  	_ =	swait.ge [sflag:s12], $0x2880  }
0x17: {  	[sflag:s12] =	ssyncset.done $0x0  }
0x18: {  	[sflag:s12] =	ssyncadd.s32 $0xFFFFD780  }
0x19: {  	[tilespmem:s13], [sflag:$0x3] =	stream.linear.gather [hbm4b:s9+s4], $0x2880, $0x38;
	[tilespmem:$0x19900] =	vst v63  }
0x1a: {  	_ =	swait.ge [sflag:s12], $0x2880  }
0x1b: {  	[sflag:s12] =	ssyncset.done $0x0  }
0x1c: {  	s22 =	simm.s32 $0x240;
	s23 =	simm.s32 $0x40;
	[sflag:s12] =	ssyncadd.s32 $0xFFFFD780  }
.LBB2_2:
0x1d: {  	p0 =	sne.s32 s22, $0x9FC0;
	[tilespmem:s23+$0x8100] =	vst v0;
	s24 =	smov.u32 s22;
	s22 =	sadd.s32 $0x140, s22  }
.Ltmp0:
0x1e: {  	[tilespmem:s23+$0xA900] =	vst v0;
	(pc) =	sbr.rel @p0 .LBB2_2-.Ltmp0, $2  }
0x1f: {  	_ =	sdelay $0x2  }
0x20: {  	s23 =	sshra.s32 s24, $0x2  }
0x21: {  	[tilespmem:s23+$0x8100] =	vst v0  }
0x22: {  	[tilespmem:s23+$0xA900] =	vst v0  }
0x23: {  	s22 =	simm.s32 $0x0;
	s23 =	simm.s32 $0x0;
	[bflag:$0x0] =	sbarrier.arrive $0xFFFF  }
.LBB2_4:
0x24: {  	s24 =	sshll.u32 s23, $0x7  }
0x25: {  	[tilespmem:s15], [sflag:$0x1] =	stream.indirect.gather [hbm4b:s5+s14], $0x50, s24, s14, $0xb8;
	[tilespmem:$0x19900] =	vst v63  }
0x26: {  	s24 =	sadd.s32 $0x2880, s24  }
0x27: {  	v12 =	vor.u32 s22, v1;
	[tilespmem:s16], [sflag:$0x2] =	stream.indirect.gather [hbm4b:s6+s14], $0x10, s24, s14, $0xb8;
	[tilespmem:$0x19900] =	vst v63  }
0x28: {  	v13 =	vmul.u32 $0x50, v12;
	v12 =	vshll.u32 v12, $0x4;
	_ =	swait.ge [sflag:s17], $0x2800  }
0x29: {  	v12 =	vor.u32 v2, v12;
	[sflag:s17] =	ssyncset.done $0x0  }
0x2a: {  	v13 =	vadd.s32 v3, v13;
	[sflag:s17] =	ssyncadd.s32 $0xFFFFD800  }
0x2b: {  	_ =	swait.ge [sflag:s18], $0x800  }
0x2c: {  	[sflag:s18] =	ssyncset.done $0x0  }
0x2d: {  	[sflag:s18] =	ssyncadd.s32 $0xFFFFF800  }
0x2e: {  	v12 =	vld.idx.msk [tilespmem:v12+s16+$0x0], $0xffff  }
0x2f: {  	v14 =	vld.idx.msk [tilespmem:v13+s15+$0x0], $0xffff;
	_ =	sdelay $0x4  }
0x30: {  	v12 =	vadd.f32 v12, v14;
	_ =	sdelay $0x1  }
0x31: {  	v12 =	vmul.f32 $1.442695020e+00, v12;
	_ =	sdelay $0x1  }
0x32: {  	v14 =	vmul.f32 $2.000000030e-01, v12;
	_ =	sdelay $0x1  }
0x33: {  	v12 =	vmax.f32 v12, v14  }
0x34: {  	v14 =	vadd.f32 $5.000000000e-01, v12;
	_ =	sdelay $0x1  }
0x35: {  	v15 =	vtrunc.f32 v14  }
0x36: {  	v15 =	vcvt.f32.s32 v15;
	_ =	sdelay $0x1  }
0x37: {  	v16 =	vcvt.s32.f32 v15;
	_ =	sdelay $0x1  }
0x38: {  	vm0 =	vlt.f32 v14, v16  }
0x39: {  	v14 =	vsel vm0, $0x3F800000, v0  }
0x3a: {  	v14 =	vsub.f32 v16, v14;
	_ =	sdelay $0x1  }
0x3b: {  	v12 =	vsub.f32 v12, v14;
	_ =	sdelay $0x1  }
0x3c: {  	v12 =	vmul.f32 $6.931471820e-01, v12;
	_ =	sdelay $0x1  }
0x3d: {  	v14 =	vmul.f32 $1.388888920e-03, v12;
	_ =	sdelay $0x1  }
0x3e: {  	v14 =	vadd.f32 $8.333333770e-03, v14;
	_ =	sdelay $0x1  }
0x3f: {  	v14 =	vmul.f32 v14, v12;
	_ =	sdelay $0x1  }
0x40: {  	v14 =	vadd.f32 $4.166666790e-02, v14;
	_ =	sdelay $0x1  }
0x41: {  	v14 =	vmul.f32 v14, v12;
	_ =	sdelay $0x1  }
0x42: {  	v14 =	vadd.f32 $1.666666720e-01, v14;
	_ =	sdelay $0x1  }
0x43: {  	v14 =	vmul.f32 v14, v12;
	_ =	sdelay $0x1  }
0x44: {  	v14 =	vadd.f32 $5.000000000e-01, v14;
	_ =	sdelay $0x1  }
0x45: {  	v61 =	vsel vm0, $0xFFFFFFFF, v4;
	v14 =	vmul.f32 v14, v12  }
0x46: {  	v15 =	vadd.s32 v15, v61  }
0x47: {  	vm15 =	vgt.s32 v15, $0xFFFFFF82;
	v14 =	vadd.f32 $1.000000000e+00, v14  }
0x48: {  	v62 =	vmov s22;
	v15 =	vnsel vm15, $0xFFFFFF82, v15  }
0x49: {  	vm0 =	vlt.s32 v15, $0x7F;
	v12 =	vmul.f32 v14, v12;
	v14 =	vmul.u32 $0x50, v62  }
0x4a: {  	v15 =	vnsel vm0, $0x7F, v15  }
0x4b: {  	v15 =	vshll.u32 v15, $0x17;
	v12 =	vadd.f32 $1.000000000e+00, v12;
	v16 =	vadd.s32 v5, v14  }
0x4c: {  	v15 =	vadd.s32 $0x3F800000, v15  }
0x4d: {  	v12 =	vmul.f32 v15, v12;
	_ =	sdelay $0x1  }
0x4e: {  	[tilespmem:v13+s19+$0x0] =	vst.idx.msk $0xffff, v12  }
0x4f: {  	s26 =	simm.s32 $0x5150;
	v12 =	vld.idx.msk [tilespmem:v16+s19+$0x0], $0xffff  }
0x50: {  	v13 =	vld [tilespmem:s26+$0xFFFFFFB0];
	_ =	sdelay $0x2  }
0x51: {  	v15 =	vadd.s32 v6, v14;
	_ =	sdelay $0x1  }
0x52: {  	v12 =	vmul.f32 v13, v12  }
0x53: {  	s25 =	simm.s32 $0x8150  }
0x54: {  	[tilespmem:s25+$0xFFFFFFB0] =	vst v12  }
0x55: {  	v12 =	vld.idx.msk [tilespmem:v15+s19+$0x0], $0xffff  }
0x56: {  	v13 =	vld [tilespmem:s26+$0xFFFFFFC0];
	_ =	sdelay $0x2  }
0x57: {  	v15 =	vadd.s32 v7, v14;
	_ =	sdelay $0x1  }
0x58: {  	v12 =	vmul.f32 v13, v12;
	_ =	sdelay $0x1  }
0x59: {  	[tilespmem:s25+$0xFFFFFFC0] =	vst v12  }
0x5a: {  	v12 =	vld.idx.msk [tilespmem:v15+s19+$0x0], $0xffff  }
0x5b: {  	v13 =	vld [tilespmem:s26+$0xFFFFFFD0];
	_ =	sdelay $0x2  }
0x5c: {  	v14 =	vadd.s32 v8, v14;
	_ =	sdelay $0x1  }
0x5d: {  	v12 =	vmul.f32 v13, v12  }
0x5e: {  	s28 =	simm.s32 $0x1  }
0x5f: {  	v13 =	vmov s28;
	[tilespmem:s25+$0xFFFFFFD0] =	vst v12  }
0x60: {  	v12 =	vmul.u32 $0x50, v13;
	v13 =	vld.idx.msk [tilespmem:v14+s19+$0x0], $0xffff  }
0x61: {  	v14 =	vld [tilespmem:s26+$0xFFFFFFE0]  }
0x62: {  	v12 =	vadd.s32 $0x40, v12  }
0x63: {  	v12 =	vbroadcast v12, $0x0;
	_ =	sdelay $0x1  }
0x64: {  	v15 =	vor.u32 v1, v12  }
0x65: {  	v13 =	vmul.f32 v14, v13;
	_ =	sdelay $0x1  }
0x66: {  	[tilespmem:s25+$0xFFFFFFE0] =	vst v13  }
0x67: {  	v14 =	vld [tilespmem:s26+$0x0]  }
0x68: {  	v13 =	vld.idx.msk [tilespmem:v15+s19+$0x0], $0xffff;
	_ =	sdelay $0x2  }
0x69: {  	v15 =	vor.u32 v9, v12;
	_ =	sdelay $0x1  }
0x6a: {  	v13 =	vmul.f32 v14, v13;
	_ =	sdelay $0x1  }
0x6b: {  	[tilespmem:s25+$0x0] =	vst v13  }
0x6c: {  	v13 =	vld.idx.msk [tilespmem:v15+s19+$0x0], $0xffff  }
0x6d: {  	v14 =	vld [tilespmem:s26+$0x10];
	_ =	sdelay $0x2  }
0x6e: {  	v15 =	vor.u32 v10, v12;
	_ =	sdelay $0x1  }
0x6f: {  	v13 =	vmul.f32 v14, v13;
	_ =	sdelay $0x1  }
0x70: {  	[tilespmem:s25+$0x10] =	vst v13  }
0x71: {  	v13 =	vld.idx.msk [tilespmem:v15+s19+$0x0], $0xffff  }
0x72: {  	v14 =	vld [tilespmem:s26+$0x20];
	_ =	sdelay $0x2  }
0x73: {  	v12 =	vor.u32 v11, v12;
	_ =	sdelay $0x1  }
0x74: {  	v13 =	vmul.f32 v14, v13;
	_ =	sdelay $0x1  }
0x75: {  	[tilespmem:s25+$0x20] =	vst v13  }
0x76: {  	v14 =	vld.idx.msk [tilespmem:v12+s19+$0x0], $0xffff  }
0x77: {  	s28 =	simm.s32 $0x2;
	v15 =	vld [tilespmem:s26+$0x30]  }
0x78: {  	v12 =	vor.u32 s28, v1  }
0x79: {  	v63 =	vmul.u32 $0x50, v12;
	v12 =	vshll.u32 v12, $0x4  }
0x7a: {  	v13 =	vor.u32 v2, v12  }
0x7b: {  	v12 =	vadd.s32 v3, v63  }
0x7c: {  	s31 =	simm.s32 $0x4;
	v14 =	vmul.f32 v15, v14  }
.LBB2_5:
0x7d: {  	s26 =	sadd.s32 $0xA0, s26  }
0x7e: {  	s30 =	smov.u32 s31;
	s29 =	sadd.s32 $0x2, s31;
	[tilespmem:s25+$0x30] =	vst v14;
	s25 =	sadd.s32 $0xA0, s25  }
0x7f: {  	p0 =	sne.s32 s31, $0x7E;
	v13 =	vld.idx.msk [tilespmem:v13+s16+$0x0], $0xffff  }
0x80: {  	v14 =	vld.idx.msk [tilespmem:v12+s15+$0x0], $0xffff;
	_ =	sdelay $0x5  }
0x81: {  	v13 =	vadd.f32 v13, v14;
	_ =	sdelay $0x1  }
0x82: {  	v13 =	vmul.f32 $1.442695020e+00, v13;
	_ =	sdelay $0x1  }
0x83: {  	v14 =	vmul.f32 $2.000000030e-01, v13;
	_ =	sdelay $0x1  }
0x84: {  	v13 =	vmax.f32 v13, v14  }
0x85: {  	v14 =	vadd.f32 $5.000000000e-01, v13;
	_ =	sdelay $0x1  }
0x86: {  	v15 =	vtrunc.f32 v14  }
0x87: {  	v15 =	vcvt.f32.s32 v15;
	_ =	sdelay $0x1  }
0x88: {  	v16 =	vcvt.s32.f32 v15;
	_ =	sdelay $0x1  }
0x89: {  	vm0 =	vlt.f32 v14, v16  }
0x8a: {  	v14 =	vsel vm0, $0x3F800000, v0;
	v17 =	vsel vm0, $0xFFFFFFFF, v4  }
0x8b: {  	v14 =	vsub.f32 v16, v14;
	v15 =	vadd.s32 v15, v17  }
0x8c: {  	vm0 =	vgt.s32 v15, $0xFFFFFF82  }
0x8d: {  	v13 =	vsub.f32 v13, v14;
	v14 =	vnsel vm0, $0xFFFFFF82, v15  }
0x8e: {  	vm0 =	vlt.s32 v14, $0x7F  }
0x8f: {  	v13 =	vmul.f32 $6.931471820e-01, v13;
	v14 =	vnsel vm0, $0x7F, v14  }
0x90: {  	v14 =	vshll.u32 v14, $0x17  }
0x91: {  	v15 =	vmul.f32 $1.388888920e-03, v13;
	_ =	sdelay $0x1  }
0x92: {  	v15 =	vadd.f32 $8.333333770e-03, v15;
	_ =	sdelay $0x1  }
0x93: {  	v15 =	vmul.f32 v15, v13;
	_ =	sdelay $0x1  }
0x94: {  	v15 =	vadd.f32 $4.166666790e-02, v15;
	_ =	sdelay $0x1  }
0x95: {  	v15 =	vmul.f32 v15, v13;
	_ =	sdelay $0x1  }
0x96: {  	v15 =	vadd.f32 $1.666666720e-01, v15;
	_ =	sdelay $0x1  }
0x97: {  	v15 =	vmul.f32 v15, v13;
	_ =	sdelay $0x1  }
0x98: {  	v15 =	vadd.f32 $5.000000000e-01, v15;
	_ =	sdelay $0x1  }
0x99: {  	v15 =	vmul.f32 v15, v13;
	_ =	sdelay $0x1  }
0x9a: {  	v15 =	vadd.f32 $1.000000000e+00, v15  }
0x9b: {  	v16 =	vmov s28  }
0x9c: {  	v13 =	vmul.f32 v15, v13;
	v15 =	vmul.u32 $0x50, v16;
	_ =	sdelay $0x1  }
0x9d: {  	v13 =	vadd.f32 $1.000000000e+00, v13;
	v16 =	vadd.s32 v5, v15  }
0x9e: {  	v14 =	vadd.s32 $0x3F800000, v14  }
0x9f: {  	v13 =	vmul.f32 v14, v13;
	_ =	sdelay $0x1  }
0xa0: {  	[tilespmem:v12+s19+$0x0] =	vst.idx.msk $0xffff, v13  }
0xa1: {  	v12 =	vld.idx.msk [tilespmem:v16+s19+$0x0], $0xffff  }
0xa2: {  	v13 =	vld [tilespmem:s26+$0xFFFFFFB0];
	_ =	sdelay $0x2  }
0xa3: {  	v14 =	vadd.s32 v6, v15;
	_ =	sdelay $0x1  }
0xa4: {  	v12 =	vmul.f32 v13, v12;
	_ =	sdelay $0x1  }
0xa5: {  	[tilespmem:s25+$0xFFFFFFB0] =	vst v12  }
0xa6: {  	v12 =	vld.idx.msk [tilespmem:v14+s19+$0x0], $0xffff  }
0xa7: {  	v13 =	vld [tilespmem:s26+$0xFFFFFFC0];
	_ =	sdelay $0x2  }
0xa8: {  	v14 =	vadd.s32 v7, v15;
	_ =	sdelay $0x1  }
0xa9: {  	v12 =	vmul.f32 v13, v12;
	_ =	sdelay $0x1  }
0xaa: {  	[tilespmem:s25+$0xFFFFFFC0] =	vst v12  }
0xab: {  	v12 =	vld.idx.msk [tilespmem:v14+s19+$0x0], $0xffff  }
0xac: {  	v13 =	vld [tilespmem:s26+$0xFFFFFFD0];
	_ =	sdelay $0x2  }
0xad: {  	v14 =	vadd.s32 v8, v15;
	_ =	sdelay $0x1  }
0xae: {  	s31 =	sadd.s32 $0x1, s28;
	s28 =	smov.u32 s30;
	v12 =	vmul.f32 v13, v12  }
0xaf: {  	v13 =	vmov s31  }
0xb0: {  	[tilespmem:s25+$0xFFFFFFD0] =	vst v12;
	v12 =	vmul.u32 $0x50, v13  }
0xb1: {  	v13 =	vld.idx.msk [tilespmem:v14+s19+$0x0], $0xffff  }
0xb2: {  	v14 =	vld [tilespmem:s26+$0xFFFFFFE0];
	v12 =	vadd.s32 $0x40, v12  }
0xb3: {  	v12 =	vbroadcast v12, $0x0;
	_ =	sdelay $0x1  }
0xb4: {  	v15 =	vor.u32 v1, v12;
	_ =	sdelay $0x1  }
0xb5: {  	v13 =	vmul.f32 v14, v13;
	_ =	sdelay $0x1  }
0xb6: {  	[tilespmem:s25+$0xFFFFFFE0] =	vst v13  }
0xb7: {  	v13 =	vld.idx.msk [tilespmem:v15+s19+$0x0], $0xffff  }
0xb8: {  	v14 =	vld [tilespmem:s26+$0x0];
	_ =	sdelay $0x2  }
0xb9: {  	v15 =	vor.u32 v9, v12;
	_ =	sdelay $0x1  }
0xba: {  	v13 =	vmul.f32 v14, v13;
	_ =	sdelay $0x1  }
0xbb: {  	[tilespmem:s25+$0x0] =	vst v13  }
0xbc: {  	v13 =	vld.idx.msk [tilespmem:v15+s19+$0x0], $0xffff  }
0xbd: {  	v14 =	vld [tilespmem:s26+$0x10];
	_ =	sdelay $0x2  }
0xbe: {  	v15 =	vor.u32 v10, v12;
	_ =	sdelay $0x1  }
0xbf: {  	v13 =	vmul.f32 v14, v13;
	_ =	sdelay $0x1  }
0xc0: {  	[tilespmem:s25+$0x10] =	vst v13  }
0xc1: {  	v13 =	vld.idx.msk [tilespmem:v15+s19+$0x0], $0xffff  }
0xc2: {  	v14 =	vld [tilespmem:s26+$0x20];
	_ =	sdelay $0x2  }
0xc3: {  	v12 =	vor.u32 v11, v12;
	_ =	sdelay $0x1  }
0xc4: {  	v13 =	vmul.f32 v14, v13;
	_ =	sdelay $0x1  }
0xc5: {  	[tilespmem:s25+$0x20] =	vst v13  }
0xc6: {  	v14 =	vld.idx.msk [tilespmem:v12+s19+$0x0], $0xffff  }
0xc7: {  	v15 =	vld [tilespmem:s26+$0x30]  }
.Ltmp1:
0xc8: {  	v12 =	vor.u32 s28, v1;
	(pc) =	sbr.rel @p0 .LBB2_5-.Ltmp1, $4  }
0xc9: {  	v16 =	vmul.u32 $0x50, v12;
	v12 =	vshll.u32 v12, $0x4  }
0xca: {  	v13 =	vor.u32 v2, v12  }
0xcb: {  	v12 =	vadd.s32 v3, v16  }
0xcc: {  	s31 =	smov.u32 s29;
	v14 =	vmul.f32 v15, v14  }
0xcd: {  	_ =	sdelay $0x2  }
0xce: {  	[tilespmem:s25+$0x30] =	vst v14  }
0xcf: {  	v13 =	vld.idx.msk [tilespmem:v13+s16+$0x0], $0xffff  }
0xd0: {  	v14 =	vld.idx.msk [tilespmem:v12+s15+$0x0], $0xffff;
	_ =	sdelay $0x4  }
0xd1: {  	v13 =	vadd.f32 v13, v14;
	_ =	sdelay $0x1  }
0xd2: {  	v13 =	vmul.f32 $1.442695020e+00, v13;
	_ =	sdelay $0x1  }
0xd3: {  	v45 =	vmul.f32 $2.000000030e-01, v13;
	_ =	sdelay $0x1  }
0xd4: {  	v13 =	vmax.f32 v13, v45  }
0xd5: {  	v14 =	vadd.f32 $5.000000000e-01, v13;
	_ =	sdelay $0x1  }
0xd6: {  	v15 =	vtrunc.f32 v14  }
0xd7: {  	v15 =	vcvt.f32.s32 v15;
	_ =	sdelay $0x1  }
0xd8: {  	v16 =	vcvt.s32.f32 v15;
	_ =	sdelay $0x1  }
0xd9: {  	vm0 =	vlt.f32 v14, v16  }
0xda: {  	v14 =	vsel vm0, $0x3F800000, v0  }
0xdb: {  	v14 =	vsub.f32 v16, v14;
	_ =	sdelay $0x1  }
0xdc: {  	v13 =	vsub.f32 v13, v14;
	_ =	sdelay $0x1  }
0xdd: {  	v13 =	vmul.f32 $6.931471820e-01, v13;
	_ =	sdelay $0x1  }
0xde: {  	v46 =	vmul.f32 $1.388888920e-03, v13;
	_ =	sdelay $0x1  }
0xdf: {  	v14 =	vadd.f32 $8.333333770e-03, v46;
	_ =	sdelay $0x1  }
0xe0: {  	v14 =	vmul.f32 v14, v13;
	_ =	sdelay $0x1  }
0xe1: {  	v14 =	vadd.f32 $4.166666790e-02, v14;
	_ =	sdelay $0x1  }
0xe2: {  	v14 =	vmul.f32 v14, v13;
	_ =	sdelay $0x1  }
0xe3: {  	v14 =	vadd.f32 $1.666666720e-01, v14;
	_ =	sdelay $0x1  }
0xe4: {  	v14 =	vmul.f32 v14, v13;
	_ =	sdelay $0x1  }
0xe5: {  	v14 =	vadd.f32 $5.000000000e-01, v14;
	_ =	sdelay $0x1  }
0xe6: {  	v47 =	vsel vm0, $0xFFFFFFFF, v4;
	v14 =	vmul.f32 v14, v13  }
0xe7: {  	v15 =	vadd.s32 v15, v47  }
0xe8: {  	vm15 =	vgt.s32 v15, $0xFFFFFF82;
	v14 =	vadd.f32 $1.000000000e+00, v14  }
0xe9: {  	v48 =	vmov s28;
	v15 =	vnsel vm15, $0xFFFFFF82, v15  }
0xea: {  	v49 =	vmul.u32 $0x50, v48;
	vm0 =	vlt.s32 v15, $0x7F;
	v13 =	vmul.f32 v14, v13  }
0xeb: {  	v15 =	vnsel vm0, $0x7F, v15  }
0xec: {  	v16 =	vadd.s32 v5, v49;
	v15 =	vshll.u32 v15, $0x17;
	v13 =	vadd.f32 $1.000000000e+00, v13  }
0xed: {  	v15 =	vadd.s32 $0x3F800000, v15  }
0xee: {  	v13 =	vmul.f32 v15, v13;
	_ =	sdelay $0x1  }
0xef: {  	[tilespmem:v12+s19+$0x0] =	vst.idx.msk $0xffff, v13  }
0xf0: {  	s26 =	sadd.s32 $0xA0, s26;
	v12 =	vld.idx.msk [tilespmem:v16+s19+$0x0], $0xffff  }
0xf1: {  	v13 =	vld [tilespmem:s26+$0xFFFFFFB0];
	_ =	sdelay $0x2  }
0xf2: {  	v50 =	vadd.s32 v6, v49;
	_ =	sdelay $0x1  }
0xf3: {  	v12 =	vmul.f32 v13, v12  }
0xf4: {  	s30 =	sadd.s32 $0xA0, s25  }
0xf5: {  	[tilespmem:s30+$0xFFFFFFB0] =	vst v12  }
0xf6: {  	v12 =	vld.idx.msk [tilespmem:v50+s19+$0x0], $0xffff  }
0xf7: {  	v51 =	vld [tilespmem:s26+$0xFFFFFFC0];
	_ =	sdelay $0x2  }
0xf8: {  	v52 =	vadd.s32 v7, v49;
	_ =	sdelay $0x1  }
0xf9: {  	v12 =	vmul.f32 v51, v12;
	_ =	sdelay $0x1  }
0xfa: {  	[tilespmem:s30+$0xFFFFFFC0] =	vst v12  }
0xfb: {  	v12 =	vld.idx.msk [tilespmem:v52+s19+$0x0], $0xffff  }
0xfc: {  	v53 =	vld [tilespmem:s26+$0xFFFFFFD0];
	_ =	sdelay $0x2  }
0xfd: {  	v14 =	vadd.s32 v8, v49;
	_ =	sdelay $0x1  }
0xfe: {  	s31 =	sadd.s32 $0x1, s28;
	v12 =	vmul.f32 v53, v12  }
0xff: {  	v54 =	vmov s31  }
0x100: {  	v55 =	vmul.u32 $0x50, v54;
	[tilespmem:s30+$0xFFFFFFD0] =	vst v12  }
0x101: {  	v56 =	vld.idx.msk [tilespmem:v14+s19+$0x0], $0xffff  }
0x102: {  	v12 =	vadd.s32 $0x40, v55;
	v57 =	vld [tilespmem:s26+$0xFFFFFFE0]  }
0x103: {  	v12 =	vbroadcast v12, $0x0;
	_ =	sdelay $0x1  }
0x104: {  	v58 =	vor.u32 v1, v12;
	_ =	sdelay $0x1  }
0x105: {  	v13 =	vmul.f32 v57, v56;
	_ =	sdelay $0x1  }
0x106: {  	[tilespmem:s30+$0xFFFFFFE0] =	vst v13  }
0x107: {  	v13 =	vld.idx.msk [tilespmem:v58+s19+$0x0], $0xffff  }
0x108: {  	v59 =	vld [tilespmem:s26+$0x0];
	_ =	sdelay $0x2  }
0x109: {  	v60 =	vor.u32 v9, v12;
	_ =	sdelay $0x1  }
0x10a: {  	v13 =	vmul.f32 v59, v13;
	_ =	sdelay $0x1  }
0x10b: {  	[tilespmem:s30+$0x0] =	vst v13  }
0x10c: {  	v13 =	vld.idx.msk [tilespmem:v60+s19+$0x0], $0xffff  }
0x10d: {  	v61 =	vld [tilespmem:s26+$0x10];
	_ =	sdelay $0x2  }
0x10e: {  	v62 =	vor.u32 v10, v12;
	_ =	sdelay $0x1  }
0x10f: {  	v13 =	vmul.f32 v61, v13;
	_ =	sdelay $0x1  }
0x110: {  	[tilespmem:s30+$0x10] =	vst v13  }
0x111: {  	v13 =	vld.idx.msk [tilespmem:v62+s19+$0x0], $0xffff  }
0x112: {  	v63 =	vld [tilespmem:s26+$0x20];
	_ =	sdelay $0x2  }
0x113: {  	v12 =	vor.u32 v11, v12;
	_ =	sdelay $0x1  }
0x114: {  	v13 =	vmul.f32 v63, v13;
	_ =	sdelay $0x1  }
0x115: {  	[tilespmem:s30+$0x20] =	vst v13  }
0x116: {  	v12 =	vld.idx.msk [tilespmem:v12+s19+$0x0], $0xffff  }
0x117: {  	v13 =	vld [tilespmem:s26+$0x30];
	_ =	sdelay $0x4  }
0x118: {  	s23 =	sadd.s32 $0x1, s23;
	v12 =	vmul.f32 v13, v12  }
0x119: {  	p0 =	sne.s32 s23, $0x51  }
.Ltmp2:
0x11a: {  	[tilespmem:s30+$0x30] =	vst v12;
	(pc) =	sbr.rel @p0 .LBB2_4-.Ltmp2, $4  }
0x11b: {  	[spmem:s3] =	stream.indirect.scatter.add.f32 [tilespmem:s19], [sflag:$0x3], $0x50, s24, s14, $0xb8;
	[tilespmem:$0x19900] =	vst v63  }
0x11c: {  	_ =	swait.ge [sflag:s12], $0x2800  }
0x11d: {  	[sflag:s12] =	ssyncset.done $0x0  }
0x11e: {  	[sflag:s12] =	ssyncadd.s32 $0xFFFFD800  }
0x11f: {  	s21 =	sadd.s32 $0x1, s21  }
0x120: {  	p0 =	sne.s32 s21, s10  }
.Ltmp3:
0x121: {  	[bflag:$0x0] =	sbarrier.arrive $0xFFFF;
	(pc) =	sbr.rel @p0 .LBB2_1-.Ltmp3, $4  }
0x122: {  	[hbm:s20], [sflag:s7] =	dma.local [spmem:s11], $0x1900  }
0x123: {  	_ =	swait.ge [sflag:s12], $0x1900  }
0x124: {  	[sflag:s12] =	ssyncset.done $0x0  }
0x125: {  	[sflag:s12] =	ssyncadd.s32 $0xFFFFE700  }
0x126: {  	_ =	sfence.sel $0x180000  }
0x127: {  	[bflag:$0x0] =	sbarrier.arrive $0xFFFF  }
0x128: {  	p0 =	sne.s32 s1, $0x0;
	_ =	strace $0x9000004A  }
0x129: {  	s0 =	sadd.s32 @!p0 $0x100000, s0;
	[bflag:$0x2] =	sbarrier.arrive $0xFFFF  }
0x12a: {  	[sflag:s0] =	ssyncadd.tile.s32 @!p0 $0x1;
	_ =	shalt  }
.Lfunc_end2:
_tile_overlayer_lowered:
.L_overlay_start_2:
0x12b: {  	(tag) =	ssettag $0x2  }
0x12c: {  	s0 =	rddreg [dreg:$0x0];
	s2 =	stileid.u32  }
0x12d: {  	s1 =	rddreg [dreg:$0x1];
	p0 =	sne.s32 s2, $0x0  }
0x12e: {  	s3 =	rddreg [dreg:$0x2];
	[bflag:$0x3] =	sbarrier.arrive $0xFFFF;
	s2 =	simm.s32 @!p0 $0x1C03  }
0x12f: {  	[timem:s3], [sflag:s2] =	dma.local @!p0 [hbm:s0], s1  }
0x130: {  	s0 =	simm.s32 @!p0 $0x3  }
0x131: {  	_ =	swait.ge @!p0 [sflag:s0], s1  }
0x132: {  	s1 =	ssub.s32 @!p0 $0x0, s1;
	[sflag:s0] =	ssyncset.done @!p0 $0x0  }
0x133: {  	[sflag:s0] =	ssyncadd.s32 @!p0 s1  }
0x134: {  	[bflag:$0x3] =	sbarrier.arrive $0xFFFF  }
0x135: {  	_ =	shalt  }

// kernel: kernel.9.cloned.1.call-start
scs
__scs_entry_jumppad:
0x0: {  	(pc) =	sbr.rel $0x88, $3  }
0x1: {  	(tag) =	ssettag $0x0;
	lr =	simm.s32 $0x1  }
0x2: {  	[smem:$0x3F89] =	sst lr;
	_ =	strace $0xD0000000  }
0x3: {  	_ = 	snop  }
0x4: {  	_ = 	snop  }
0x5: {  	_ = 	snop  }
0x6: {  	_ = 	snop  }
0x7: {  	_ = 	snop  }
__scs_overlays_trampoline_lowered:
0x8: {  	[smem:$0x3F98] =	sst s0  }
0x9: {  	[smem:$0x3F99] =	sst s1  }
0xa: {  	[smem:$0x3F9A] =	sst s2  }
0xb: {  	[smem:$0x3F9B] =	sst s3  }
0xc: {  	[smem:$0x3F9C] =	sst s4  }
0xd: {  	[smem:$0x3F9D] =	sst s5  }
0xe: {  	[smem:$0x3F9E] =	sst s6  }
0xf: {  	[smem:$0x3F9F] =	sst s7  }
0x10: {  	[smem:$0x3FA0] =	sst s8  }
0x11: {  	[smem:$0x3FA1] =	sst s9;
	s0 =	simm.s32 @!p0 $0x0  }
0x12: {  	s1 =	sld [smem:$0x3F87];
	s0 =	simm.s32 @p0 $0x1  }
0x13: {  	[smem:$0x3FA2] =	sst s0;
	s0 =	simm.s32 @!p1 $0x0  }
0x14: {  	s2 =	sld [smem:$0x3F86];
	s0 =	simm.s32 @p1 $0x1  }
0x15: {  	[smem:$0x3FA3] =	sst s0;
	s0 =	simm.s32 @!p2 $0x0  }
0x16: {  	s3 =	sld [smem:$0x3FDB];
	s0 =	simm.s32 @p2 $0x1  }
0x17: {  	s4 =	simm.s32 $0x1BF5;
	[smem:$0x3FA5] =	sst s0  }
0x18: {  	s0 =	sld [smem:$0x3F88];
	_ =	swait.ge [sflag:s4], $0x0  }
0x19: {  	s7 =	sld [smem:$0x3F89]  }
0x1a: {  	s8 =	sadd.s32 $0xFFFFE003, lr  }
0x1b: {  	s9 =	sadd.s32 $0xFFFFFEF7, lr;
	s5 =	simm.s32 $0xFFFFFFFF;
	p2 =	slt.u32 s8, $0xFFFFF086  }
0x1c: {  	p1 =	slt.u32 s9, $0xF7A;
	s5 =	simm.s32 @!p2 $0x0  }
0x1d: {  	s5 =	simm.s32 @p1 $0x1;
	p0 =	seq.s32 s7, s2  }
0x1e: {  	s7 =	smul.u32 @!p0 $0xF7A, s2;
	p2 =	seq.s32 @!p0 s5, $0x0  }
0x1f: {  	s9 =	smul.u32 $0xF7A, s1;
	s8 =	simm.s32 @!p0 $0x1BF5;
	p2 =	por !p2, p0  }
0x20: {  	[sflag:s8] =	ssyncset.s32 @!p0 $0xFFFFF086;
	s6 =	sadd.s32 @!p0 s3, s7;
	s7 =	simm.s32 @!p0 $0x108  }
0x21: {  	s3 =	sadd.s32 s3, s9;
	s6 =	sadd.s32 @!p0 $0x88, s6;
	s7 =	simm.s32 @p2 $0x1082  }
0x22: {  	[simem:s7], [sflag:s8] =	dma.local @!p0 [hbm:s6], $0xF7A  }
0x23: {  	s9 =	sor.u32 $0xD0000000, s2;
	s6 =	simm.s32 $0x108;
	_ =	swait.ge @!p0 [sflag:s8], $0x0  }
0x24: {  	s3 =	sadd.s32 $0x88, s3;
	s6 =	simm.s32 @!p1 $0x1082;
	[sflag:s4] =	ssyncset.s32 $0xFFFFF086  }
0x25: {  	[simem:s6], [sflag:s4] =	dma.local [hbm:s3], $0xF7A  }
0x26: {  	[smem:$0x3F89] =	sst s1;
	(tag) =	ssettag s2;
	_ =	strace s9  }
0x27: {  	s1 =	sld [smem:$0x3F99]  }
0x28: {  	s2 =	sld [smem:$0x3F9A]  }
0x29: {  	s4 =	sld [smem:$0x3F9C]  }
0x2a: {  	p0 =	seq.s32 s5, $0x0;
	s5 =	sld [smem:$0x3F9D]  }
0x2b: {  	s6 =	sld [smem:$0x3F9E]  }
0x2c: {  	s7 =	sld [smem:$0x3F9F]  }
0x2d: {  	s3 =	simm.s32 $0x108;
	s8 =	sld [smem:$0x3FA0]  }
0x2e: {  	s3 =	simm.s32 @!p0 $0x1082;
	s9 =	sld [smem:$0x3FA1]  }
0x2f: {  	lr =	sadd.s32 s0, s3;
	s0 =	sld [smem:$0x3F98]  }
0x30: {  	s3 =	sld [smem:$0x3F9B]  }
0x31: {  	[smem:$0x3FA4] =	sst s10  }
0x32: {  	s10 =	sld [smem:$0x3FA2];
	_ =	sdelay $0x3  }
0x33: {  	p0 =	seq.s32 s10, $0x1;
	s10 =	sld [smem:$0x3FA4];
	_ =	sdelay $0x3  }
0x34: {  	[smem:$0x3FA4] =	sst s10  }
0x35: {  	s10 =	sld [smem:$0x3FA3];
	_ =	sdelay $0x3  }
0x36: {  	p1 =	seq.s32 s10, $0x1;
	s10 =	sld [smem:$0x3FA4];
	_ =	sdelay $0x3  }
0x37: {  	[smem:$0x3FA4] =	sst s10  }
0x38: {  	s10 =	sld [smem:$0x3FA5]  }
0x39: {  	_ = 	snop;
	(pc) =	sbr.ind lr, $3  }
0x3a: {  	_ = 	snop  }
0x3b: {  	_ = 	snop  }
0x3c: {  	p2 =	seq.s32 s10, $0x1;
	s10 =	sld [smem:$0x3FA4]  }
0x3d: {  	_ =	shalt  }
0x3e: {  	_ =	shalt  }
0x3f: {  	_ =	shalt  }
0x40: {  	_ =	shalt  }
0x41: {  	_ =	shalt  }
0x42: {  	_ =	shalt  }
0x43: {  	_ =	shalt  }
0x44: {  	_ =	shalt  }
0x45: {  	_ =	shalt  }
0x46: {  	_ =	shalt  }
0x47: {  	_ =	shalt  }
0x48: {  	_ =	shalt  }
0x49: {  	_ =	shalt  }
0x4a: {  	_ =	shalt  }
0x4b: {  	_ =	shalt  }
0x4c: {  	_ =	shalt  }
0x4d: {  	_ =	shalt  }
0x4e: {  	_ =	shalt  }
0x4f: {  	_ =	shalt  }
0x50: {  	_ =	shalt  }
0x51: {  	_ =	shalt  }
0x52: {  	_ =	shalt  }
0x53: {  	_ =	shalt  }
0x54: {  	_ =	shalt  }
0x55: {  	_ =	shalt  }
0x56: {  	_ =	shalt  }
0x57: {  	_ =	shalt  }
0x58: {  	_ =	shalt  }
0x59: {  	_ =	shalt  }
0x5a: {  	_ =	shalt  }
0x5b: {  	_ =	shalt  }
0x5c: {  	_ =	shalt  }
0x5d: {  	_ =	shalt  }
0x5e: {  	_ =	shalt  }
0x5f: {  	_ =	shalt  }
0x60: {  	_ =	shalt  }
0x61: {  	_ =	shalt  }
0x62: {  	_ =	shalt  }
0x63: {  	_ =	shalt  }
0x64: {  	_ =	shalt  }
0x65: {  	_ =	shalt  }
0x66: {  	_ =	shalt  }
0x67: {  	_ =	shalt  }
0x68: {  	_ =	shalt  }
0x69: {  	_ =	shalt  }
0x6a: {  	_ =	shalt  }
0x6b: {  	_ =	shalt  }
0x6c: {  	_ =	shalt  }
0x6d: {  	_ =	shalt  }
0x6e: {  	_ =	shalt  }
0x6f: {  	_ =	shalt  }
0x70: {  	_ =	shalt  }
0x71: {  	_ =	shalt  }
0x72: {  	_ =	shalt  }
0x73: {  	_ =	shalt  }
0x74: {  	_ =	shalt  }
0x75: {  	_ =	shalt  }
0x76: {  	_ =	shalt  }
0x77: {  	_ =	shalt  }
0x78: {  	_ =	shalt  }
0x79: {  	_ =	shalt  }
0x7a: {  	_ =	shalt  }
0x7b: {  	_ =	shalt  }
0x7c: {  	_ =	shalt  }
0x7d: {  	_ =	shalt  }
0x7e: {  	_ =	shalt  }
0x7f: {  	_ =	shalt  }
0x80: {  	_ =	shalt  }
0x81: {  	_ =	shalt  }
0x82: {  	_ =	shalt  }
0x83: {  	_ =	shalt  }
0x84: {  	_ =	shalt  }
0x85: {  	_ =	shalt  }
0x86: {  	_ =	shalt  }
0x87: {  	_ =	shalt  }
.Lfunc_end0:
.L_simem_size_0:
called_computation_lowered:
.L_overlay_start_0:
0x88: {  	s2 =	sld [smem:$0x3FD9]  }
0x89: {  	s3 =	sld [smem:$0x3FFE];
	_ =	sdelay $0x1  }
0x8a: {  	s1 =	srdreg.scid  }
0x8b: {  	s0 =	sand.u32 $0x1, s1  }
0x8c: {  	s17 =	sshll.u32 s0, $0xA;
	s2 =	sadd.s32 s3, s2  }
0x8d: {  	s2 =	sadd.s32 s2, s17  }
0x8e: {  	[smem:$0x3FB0] =	sst s2  }
0x8f: {  	_ = 	snop  }
0x90: {  	s2 =	sld [smem:$0x3FD0];
	(tm) =	ssettm $0x1  }
0x91: {  	s18 =	sld [smem:$0x3FFB];
	_ =	sdelay $0x3  }
0x92: {  	_ =	strace s18  }
0x93: {  	s3 =	sld [smem:$0x3FFC];
	_ =	sdelay $0x3  }
0x94: {  	_ =	strace s3  }
0x95: {  	s3 =	sld [smem:$0x3FFD];
	_ =	sdelay $0x3  }
0x96: {  	_ =	strace s3  }
0x97: {  	_ =	strace $0x8FFFFFFF  }
0x98: {  	s19 =	sld [smem:$0x3FDB];
	_ =	sdelay $0x1  }
0x99: {  	s4 =	simm.s32 $_scs_section_size  }
0x9a: {  	s5 =	simm.s32 $_size__tile_overlayer_lowered;
	s6 =	simm.s32 $_tile_overlayer_lowered  }
0x9b: {  	s22 =	simm.s32 $0x1BFF;
	s21 =	sshll.u32 s6, $0x1;
	s3 =	sadd.s32 s4, s19  }
0x9c: {  	s7 =	simm.s32 $0x0;
	s20 =	sshll.u32 s5, $0x1;
	s5 =	sadd.s32 s21, s3  }
0x9d: {  	[timem:s7], [sflag:s22] =	dma.local [hbm:s5], s20  }
0x9e: {  	_ =	swait.ge [sflag:s22], s20  }
0x9f: {  	s4 =	ssub.s32 $0x0, s20;
	[sflag:s22] =	ssyncset.done $0x0  }
0xa0: {  	[sflag:s22] =	ssyncadd.s32 s4;
	_ =	sdelay $0x1  }
0xa1: {  	s23 =	simm.s32 $0x1B8B  }
0xa2: {  	_ =	swait.ge [sflag:s23], $0x1  }
0xa3: {  	[sflag:s23] =	ssyncset.done $0x0  }
0xa4: {  	s25 =	simm.s32 $0x1B8E;
	s24 =	sld [smem:$0x3FFE];
	[sflag:s23] =	ssyncadd.s32 $0xFFFFFFFF  }
0xa5: {  	s26 =	simm.s32 $execute0_lowered;
	[smem:$0x3FD2] =	sst s25  }
0xa6: {  	s5 =	sshll.u32 s26, $0x1;
	_ =	strace $0x80000046;
	[dreg:$0x1] =	wrdreg $0xFFFFFFFF  }
0xa7: {  	s28 =	simm.s32 $_size_execute0_lowered;
	s3 =	sadd.s32 s3, s5;
	[dreg:$0x0] =	wrdreg $0x0  }
0xa8: {  	s5 =	sshll.u32 s28, $0x1;
	[dreg:$0x2] =	wrdreg s3  }
0xa9: {  	[dreg:$0x3] =	wrdreg s5  }
0xaa: {  	[dreg:$0x4] =	wrdreg $0xC0  }
0xab: {  	_ =	task [dreg:s7], $0x5FFFF  }
0xac: {  	[dreg:$0x1] =	wrdreg $0xFFFFFFFF  }
0xad: {  	[dreg:$0x0] =	wrdreg $0x60  }
0xae: {  	[dreg:$0x2] =	wrdreg s24  }
0xaf: {  	[dreg:$0x3] =	wrdreg s2  }
0xb0: {  	[dreg:$0x4] =	wrdreg $0xD1000  }
0xb1: {  	[dreg:$0x5] =	wrdreg $0x9  }
0xb2: {  	_ =	task.clear_ibuf [dreg:s7], $0x6FFFF;
	_ =	strace $0x90000046  }
0xb3: {  	s29 =	simm.s32 $0x9;
	_ =	strace $0x80000048  }
0xb4: {  	_ =	swait.ge [sflag:s29], $0x1  }
0xb5: {  	[sflag:s29] =	ssyncadd.s32 $0xFFFFFFFF  }
0xb6: {  	_ =	strace $0x90000048  }
0xb7: {  	_ =	sfence  }
0xb8: {  	s30 =	sld [smem:$0x0];
	_ =	sdelay $0x2  }
0xb9: {  	s31 =	sshll.u32 s1, $0xD;
	s1 =	sshrl.u32 s1, $0x2  }
0xba: {  	s3 =	sand.u32 $0x4000, s31;
	s1 =	sadd.s32 s1, s30  }
0xbb: {  	s0 =	sor.u32 s3, s0;
	s1 =	sshll.u32 s1, $0x11  }
0xbc: {  	s0 =	sor.u32 s1, s0  }
0xbd: {  	s0 =	sadd.s32 $0x8F2B, s0  }
0xbe: {  	[sflag:s0] =	ssyncadd.remote.s32 $0x1  }
0xbf: {  	_ =	sfence.sel $0xFFFF  }
0xc0: {  	[dreg:$0x0] =	wrdreg $0xFFFFFFFF;
	(pc) =	sbr.abs _section_cstart, $3  }
0xc1: {  	[dreg:$0x1] =	wrdreg $0xFFFFFFFF  }
0xc2: {  	_ =	task.clear_ibuf [dreg:s7], $0x2FFFF;
	_ =	strace $0x9FFFFFFF  }
0xc3: {  	(tm) =	ssettm $0x7FFFFFFF  }
tec
execute0_lowered:
.L_overlay_start_1:
0x0: {  	(tag) =	ssettag $0x1  }
0x1: {  	s7 =	rddreg [dreg:$0x0]  }
0x2: {  	s2 =	rddreg [dreg:$0x1]  }
0x3: {  	s3 =	rddreg [dreg:$0x2]  }
0x4: {  	s0 =	rddreg [dreg:$0x3];
	s5 =	srdreg.scid  }
0x5: {  	s1 =	stileid.u32;
	s4 =	simm.s32 $0x0;
	s14 =	simm.s32 $0x80  }
0x6: {  	s15 =	simm.s32 $0x5100;
	s16 =	simm.s32 $0x7900;
	s17 =	simm.s32 $0x1  }
0x7: {  	s18 =	simm.s32 $0x2;
	s19 =	simm.s32 $0x8100;
	s8 =	sand.u32 $0x1, s5  }
0x8: {  	s30 =	sshll.u32 s1, $0x1;
	[smem:$0x7FF] =	sst s4;
	s5 =	sadd.s32 $0x17A00, s7  }
0x9: {  	s12 =	smul.u32 $0xC800, s1;
	s31 =	sshll.u32 s1, $0x6;
	s6 =	sor.u32 s8, s30  }
0xa: {  	_ =	strace $0x80000047;
	s10 =	smul.u32 $0x19000, s8;
	s8 =	ssub.s32 $0x2, s8  }
0xb: {  	s9 =	smul.u32 $0x510, s6;
	s6 =	sadd.s32 $0x30A00, s7;
	s11 =	sshrl.u32 s8, $0x1  }
0xc: {  	v2 =	vlaneseq.u32;
	s13 =	sadd.s32 s12, s3;
	s21 =	sshrl.u32 s12, $0x3;
	s12 =	simm.s32 $0x3  }
0xd: {  	v0 =	vimm.f32 $0.0e+00;
	v1 =	vshrl.u32 v2, $0x3;
	v2 =	vand.u32 $0x7, v2;
	s10 =	sadd.s32 s10, s7;
	s11 =	ssub.s32 s8, s11;
	s9 =	sadd.s32 s9, s7  }
0xe: {  	v4 =	vimm.s32 $0x0;
	v3 =	vor.u32 $0x40, v2;
	v5 =	vor.u32 $0x40, v1;
	s7 =	sor.u32 $0x1C03, s31;
	s20 =	sadd.s32 $0x35A00, s10;
	s10 =	smax.u32 s11, $0x1  }
0xf: {  	v6 =	vor.u32 $0x42, v1;
	v7 =	vor.u32 $0x44, v1;
	v8 =	vor.u32 $0x46, v1;
	s11 =	sshrl.u32 s13, $0x3;
	s13 =	simm.s32 $0x2880;
	s8 =	sadd.s32 $0xD800, s9  }
0x10: {  	v9 =	vor.u32 $0x2, v1;
	v10 =	vor.u32 $0x4, v1;
	v11 =	vor.u32 $0x6, v1;
	s9 =	sadd.s32 $0x3600, s9;
	s20 =	sadd.s32 s21, s20;
	s21 =	simm.s32 $0x0  }
.LBB2_1:
0x11: {  	[spmem:s11], [sflag:s7] =	dma.local [hbm:s2], $0x1900  }
0x12: {  	_ =	swait.ge [sflag:s12], $0x1900  }
0x13: {  	[sflag:s12] =	ssyncset.done $0x0  }
0x14: {  	[sflag:s12] =	ssyncadd.s32 $0xFFFFE700  }
0x15: {  	[tilespmem:s4], [sflag:$0x3] =	stream.linear.gather [hbm4b:s8+s4], $0x2880, $0x38;
	[tilespmem:$0x19900] =	vst v63  }
0x16: {  	_ =	swait.ge [sflag:s12], $0x2880  }
0x17: {  	[sflag:s12] =	ssyncset.done $0x0  }
0x18: {  	[sflag:s12] =	ssyncadd.s32 $0xFFFFD780  }
0x19: {  	[tilespmem:s13], [sflag:$0x3] =	stream.linear.gather [hbm4b:s9+s4], $0x2880, $0x38;
	[tilespmem:$0x19900] =	vst v63  }
0x1a: {  	_ =	swait.ge [sflag:s12], $0x2880  }
0x1b: {  	[sflag:s12] =	ssyncset.done $0x0  }
0x1c: {  	s22 =	simm.s32 $0x240;
	s23 =	simm.s32 $0x40;
	[sflag:s12] =	ssyncadd.s32 $0xFFFFD780  }
.LBB2_2:
0x1d: {  	p0 =	sne.s32 s22, $0x9FC0;
	[tilespmem:s23+$0x8100] =	vst v0;
	s24 =	smov.u32 s22;
	s22 =	sadd.s32 $0x140, s22  }
.Ltmp0:
0x1e: {  	[tilespmem:s23+$0xA900] =	vst v0;
	(pc) =	sbr.rel @p0 .LBB2_2-.Ltmp0, $2  }
0x1f: {  	_ =	sdelay $0x2  }
0x20: {  	s23 =	sshra.s32 s24, $0x2  }
0x21: {  	[tilespmem:s23+$0x8100] =	vst v0  }
0x22: {  	[tilespmem:s23+$0xA900] =	vst v0  }
0x23: {  	s22 =	simm.s32 $0x0;
	s23 =	simm.s32 $0x0;
	[bflag:$0x0] =	sbarrier.arrive $0xFFFF  }
.LBB2_4:
0x24: {  	s24 =	sshll.u32 s23, $0x7  }
0x25: {  	[tilespmem:s15], [sflag:$0x1] =	stream.indirect.gather [hbm4b:s5+s14], $0x50, s24, s14, $0xb8;
	[tilespmem:$0x19900] =	vst v63  }
0x26: {  	s24 =	sadd.s32 $0x2880, s24  }
0x27: {  	v12 =	vor.u32 s22, v1;
	[tilespmem:s16], [sflag:$0x2] =	stream.indirect.gather [hbm4b:s6+s14], $0x10, s24, s14, $0xb8;
	[tilespmem:$0x19900] =	vst v63  }
0x28: {  	v13 =	vmul.u32 $0x50, v12;
	v12 =	vshll.u32 v12, $0x4;
	_ =	swait.ge [sflag:s17], $0x2800  }
0x29: {  	v12 =	vor.u32 v2, v12;
	[sflag:s17] =	ssyncset.done $0x0  }
0x2a: {  	v13 =	vadd.s32 v3, v13;
	[sflag:s17] =	ssyncadd.s32 $0xFFFFD800  }
0x2b: {  	_ =	swait.ge [sflag:s18], $0x800  }
0x2c: {  	[sflag:s18] =	ssyncset.done $0x0  }
0x2d: {  	[sflag:s18] =	ssyncadd.s32 $0xFFFFF800  }
0x2e: {  	v12 =	vld.idx.msk [tilespmem:v12+s16+$0x0], $0xffff  }
0x2f: {  	v14 =	vld.idx.msk [tilespmem:v13+s15+$0x0], $0xffff;
	_ =	sdelay $0x4  }
0x30: {  	v12 =	vadd.f32 v12, v14;
	_ =	sdelay $0x1  }
0x31: {  	v12 =	vmul.f32 $1.442695020e+00, v12;
	_ =	sdelay $0x1  }
0x32: {  	v14 =	vmul.f32 $2.000000030e-01, v12;
	_ =	sdelay $0x1  }
0x33: {  	v12 =	vmax.f32 v12, v14  }
0x34: {  	v14 =	vadd.f32 $5.000000000e-01, v12;
	_ =	sdelay $0x1  }
0x35: {  	v15 =	vtrunc.f32 v14  }
0x36: {  	v15 =	vcvt.f32.s32 v15;
	_ =	sdelay $0x1  }
0x37: {  	v16 =	vcvt.s32.f32 v15;
	_ =	sdelay $0x1  }
0x38: {  	vm0 =	vlt.f32 v14, v16  }
0x39: {  	v14 =	vsel vm0, $0x3F800000, v0  }
0x3a: {  	v14 =	vsub.f32 v16, v14;
	_ =	sdelay $0x1  }
0x3b: {  	v12 =	vsub.f32 v12, v14;
	_ =	sdelay $0x1  }
0x3c: {  	v12 =	vmul.f32 $6.931471820e-01, v12;
	_ =	sdelay $0x1  }
0x3d: {  	v14 =	vmul.f32 $1.388888920e-03, v12;
	_ =	sdelay $0x1  }
0x3e: {  	v14 =	vadd.f32 $8.333333770e-03, v14;
	_ =	sdelay $0x1  }
0x3f: {  	v14 =	vmul.f32 v14, v12;
	_ =	sdelay $0x1  }
0x40: {  	v14 =	vadd.f32 $4.166666790e-02, v14;
	_ =	sdelay $0x1  }
0x41: {  	v14 =	vmul.f32 v14, v12;
	_ =	sdelay $0x1  }
0x42: {  	v14 =	vadd.f32 $1.666666720e-01, v14;
	_ =	sdelay $0x1  }
0x43: {  	v14 =	vmul.f32 v14, v12;
	_ =	sdelay $0x1  }
0x44: {  	v14 =	vadd.f32 $5.000000000e-01, v14;
	_ =	sdelay $0x1  }
0x45: {  	v61 =	vsel vm0, $0xFFFFFFFF, v4;
	v14 =	vmul.f32 v14, v12  }
0x46: {  	v15 =	vadd.s32 v15, v61  }
0x47: {  	vm15 =	vgt.s32 v15, $0xFFFFFF82;
	v14 =	vadd.f32 $1.000000000e+00, v14  }
0x48: {  	v62 =	vmov s22;
	v15 =	vnsel vm15, $0xFFFFFF82, v15  }
0x49: {  	vm0 =	vlt.s32 v15, $0x7F;
	v12 =	vmul.f32 v14, v12;
	v14 =	vmul.u32 $0x50, v62  }
0x4a: {  	v15 =	vnsel vm0, $0x7F, v15  }
0x4b: {  	v15 =	vshll.u32 v15, $0x17;
	v12 =	vadd.f32 $1.000000000e+00, v12;
	v16 =	vadd.s32 v5, v14  }
0x4c: {  	v15 =	vadd.s32 $0x3F800000, v15  }
0x4d: {  	v12 =	vmul.f32 v15, v12;
	_ =	sdelay $0x1  }
0x4e: {  	[tilespmem:v13+s19+$0x0] =	vst.idx.msk $0xffff, v12  }
0x4f: {  	s26 =	simm.s32 $0x5150;
	v12 =	vld.idx.msk [tilespmem:v16+s19+$0x0], $0xffff  }
0x50: {  	v13 =	vld [tilespmem:s26+$0xFFFFFFB0];
	_ =	sdelay $0x2  }
0x51: {  	v15 =	vadd.s32 v6, v14;
	_ =	sdelay $0x1  }
0x52: {  	v12 =	vmul.f32 v13, v12  }
0x53: {  	s25 =	simm.s32 $0x8150  }
0x54: {  	[tilespmem:s25+$0xFFFFFFB0] =	vst v12  }
0x55: {  	v12 =	vld.idx.msk [tilespmem:v15+s19+$0x0], $0xffff  }
0x56: {  	v13 =	vld [tilespmem:s26+$0xFFFFFFC0];
	_ =	sdelay $0x2  }
0x57: {  	v15 =	vadd.s32 v7, v14;
	_ =	sdelay $0x1  }
0x58: {  	v12 =	vmul.f32 v13, v12;
	_ =	sdelay $0x1  }
0x59: {  	[tilespmem:s25+$0xFFFFFFC0] =	vst v12  }
0x5a: {  	v12 =	vld.idx.msk [tilespmem:v15+s19+$0x0], $0xffff  }
0x5b: {  	v13 =	vld [tilespmem:s26+$0xFFFFFFD0];
	_ =	sdelay $0x2  }
0x5c: {  	v14 =	vadd.s32 v8, v14;
	_ =	sdelay $0x1  }
0x5d: {  	v12 =	vmul.f32 v13, v12  }
0x5e: {  	s28 =	simm.s32 $0x1  }
0x5f: {  	v13 =	vmov s28;
	[tilespmem:s25+$0xFFFFFFD0] =	vst v12  }
0x60: {  	v12 =	vmul.u32 $0x50, v13;
	v13 =	vld.idx.msk [tilespmem:v14+s19+$0x0], $0xffff  }
0x61: {  	v14 =	vld [tilespmem:s26+$0xFFFFFFE0]  }
0x62: {  	v12 =	vadd.s32 $0x40, v12  }
0x63: {  	v12 =	vbroadcast v12, $0x0;
	_ =	sdelay $0x1  }
0x64: {  	v15 =	vor.u32 v1, v12  }
0x65: {  	v13 =	vmul.f32 v14, v13;
	_ =	sdelay $0x1  }
0x66: {  	[tilespmem:s25+$0xFFFFFFE0] =	vst v13  }
0x67: {  	v14 =	vld [tilespmem:s26+$0x0]  }
0x68: {  	v13 =	vld.idx.msk [tilespmem:v15+s19+$0x0], $0xffff;
	_ =	sdelay $0x2  }
0x69: {  	v15 =	vor.u32 v9, v12;
	_ =	sdelay $0x1  }
0x6a: {  	v13 =	vmul.f32 v14, v13;
	_ =	sdelay $0x1  }
0x6b: {  	[tilespmem:s25+$0x0] =	vst v13  }
0x6c: {  	v13 =	vld.idx.msk [tilespmem:v15+s19+$0x0], $0xffff  }
0x6d: {  	v14 =	vld [tilespmem:s26+$0x10];
	_ =	sdelay $0x2  }
0x6e: {  	v15 =	vor.u32 v10, v12;
	_ =	sdelay $0x1  }
0x6f: {  	v13 =	vmul.f32 v14, v13;
	_ =	sdelay $0x1  }
0x70: {  	[tilespmem:s25+$0x10] =	vst v13  }
0x71: {  	v13 =	vld.idx.msk [tilespmem:v15+s19+$0x0], $0xffff  }
0x72: {  	v14 =	vld [tilespmem:s26+$0x20];
	_ =	sdelay $0x2  }
0x73: {  	v12 =	vor.u32 v11, v12;
	_ =	sdelay $0x1  }
0x74: {  	v13 =	vmul.f32 v14, v13;
	_ =	sdelay $0x1  }
0x75: {  	[tilespmem:s25+$0x20] =	vst v13  }
0x76: {  	v14 =	vld.idx.msk [tilespmem:v12+s19+$0x0], $0xffff  }
0x77: {  	s28 =	simm.s32 $0x2;
	v15 =	vld [tilespmem:s26+$0x30]  }
0x78: {  	v12 =	vor.u32 s28, v1  }
0x79: {  	v63 =	vmul.u32 $0x50, v12;
	v12 =	vshll.u32 v12, $0x4  }
0x7a: {  	v13 =	vor.u32 v2, v12  }
0x7b: {  	v12 =	vadd.s32 v3, v63  }
0x7c: {  	s31 =	simm.s32 $0x4;
	v14 =	vmul.f32 v15, v14  }
.LBB2_5:
0x7d: {  	s26 =	sadd.s32 $0xA0, s26  }
0x7e: {  	s30 =	smov.u32 s31;
	s29 =	sadd.s32 $0x2, s31;
	[tilespmem:s25+$0x30] =	vst v14;
	s25 =	sadd.s32 $0xA0, s25  }
0x7f: {  	p0 =	sne.s32 s31, $0x7E;
	v13 =	vld.idx.msk [tilespmem:v13+s16+$0x0], $0xffff  }
0x80: {  	v14 =	vld.idx.msk [tilespmem:v12+s15+$0x0], $0xffff;
	_ =	sdelay $0x5  }
0x81: {  	v13 =	vadd.f32 v13, v14;
	_ =	sdelay $0x1  }
0x82: {  	v13 =	vmul.f32 $1.442695020e+00, v13;
	_ =	sdelay $0x1  }
0x83: {  	v14 =	vmul.f32 $2.000000030e-01, v13;
	_ =	sdelay $0x1  }
0x84: {  	v13 =	vmax.f32 v13, v14  }
0x85: {  	v14 =	vadd.f32 $5.000000000e-01, v13;
	_ =	sdelay $0x1  }
0x86: {  	v15 =	vtrunc.f32 v14  }
0x87: {  	v15 =	vcvt.f32.s32 v15;
	_ =	sdelay $0x1  }
0x88: {  	v16 =	vcvt.s32.f32 v15;
	_ =	sdelay $0x1  }
0x89: {  	vm0 =	vlt.f32 v14, v16  }
0x8a: {  	v14 =	vsel vm0, $0x3F800000, v0;
	v17 =	vsel vm0, $0xFFFFFFFF, v4  }
0x8b: {  	v14 =	vsub.f32 v16, v14;
	v15 =	vadd.s32 v15, v17  }
0x8c: {  	vm0 =	vgt.s32 v15, $0xFFFFFF82  }
0x8d: {  	v13 =	vsub.f32 v13, v14;
	v14 =	vnsel vm0, $0xFFFFFF82, v15  }
0x8e: {  	vm0 =	vlt.s32 v14, $0x7F  }
0x8f: {  	v13 =	vmul.f32 $6.931471820e-01, v13;
	v14 =	vnsel vm0, $0x7F, v14  }
0x90: {  	v14 =	vshll.u32 v14, $0x17  }
0x91: {  	v15 =	vmul.f32 $1.388888920e-03, v13;
	_ =	sdelay $0x1  }
0x92: {  	v15 =	vadd.f32 $8.333333770e-03, v15;
	_ =	sdelay $0x1  }
0x93: {  	v15 =	vmul.f32 v15, v13;
	_ =	sdelay $0x1  }
0x94: {  	v15 =	vadd.f32 $4.166666790e-02, v15;
	_ =	sdelay $0x1  }
0x95: {  	v15 =	vmul.f32 v15, v13;
	_ =	sdelay $0x1  }
0x96: {  	v15 =	vadd.f32 $1.666666720e-01, v15;
	_ =	sdelay $0x1  }
0x97: {  	v15 =	vmul.f32 v15, v13;
	_ =	sdelay $0x1  }
0x98: {  	v15 =	vadd.f32 $5.000000000e-01, v15;
	_ =	sdelay $0x1  }
0x99: {  	v15 =	vmul.f32 v15, v13;
	_ =	sdelay $0x1  }
0x9a: {  	v15 =	vadd.f32 $1.000000000e+00, v15  }
0x9b: {  	v16 =	vmov s28  }
0x9c: {  	v13 =	vmul.f32 v15, v13;
	v15 =	vmul.u32 $0x50, v16;
	_ =	sdelay $0x1  }
0x9d: {  	v13 =	vadd.f32 $1.000000000e+00, v13;
	v16 =	vadd.s32 v5, v15  }
0x9e: {  	v14 =	vadd.s32 $0x3F800000, v14  }
0x9f: {  	v13 =	vmul.f32 v14, v13;
	_ =	sdelay $0x1  }
0xa0: {  	[tilespmem:v12+s19+$0x0] =	vst.idx.msk $0xffff, v13  }
0xa1: {  	v12 =	vld.idx.msk [tilespmem:v16+s19+$0x0], $0xffff  }
0xa2: {  	v13 =	vld [tilespmem:s26+$0xFFFFFFB0];
	_ =	sdelay $0x2  }
0xa3: {  	v14 =	vadd.s32 v6, v15;
	_ =	sdelay $0x1  }
0xa4: {  	v12 =	vmul.f32 v13, v12;
	_ =	sdelay $0x1  }
0xa5: {  	[tilespmem:s25+$0xFFFFFFB0] =	vst v12  }
0xa6: {  	v12 =	vld.idx.msk [tilespmem:v14+s19+$0x0], $0xffff  }
0xa7: {  	v13 =	vld [tilespmem:s26+$0xFFFFFFC0];
	_ =	sdelay $0x2  }
0xa8: {  	v14 =	vadd.s32 v7, v15;
	_ =	sdelay $0x1  }
0xa9: {  	v12 =	vmul.f32 v13, v12;
	_ =	sdelay $0x1  }
0xaa: {  	[tilespmem:s25+$0xFFFFFFC0] =	vst v12  }
0xab: {  	v12 =	vld.idx.msk [tilespmem:v14+s19+$0x0], $0xffff  }
0xac: {  	v13 =	vld [tilespmem:s26+$0xFFFFFFD0];
	_ =	sdelay $0x2  }
0xad: {  	v14 =	vadd.s32 v8, v15;
	_ =	sdelay $0x1  }
0xae: {  	s31 =	sadd.s32 $0x1, s28;
	s28 =	smov.u32 s30;
	v12 =	vmul.f32 v13, v12  }
0xaf: {  	v13 =	vmov s31  }
0xb0: {  	[tilespmem:s25+$0xFFFFFFD0] =	vst v12;
	v12 =	vmul.u32 $0x50, v13  }
0xb1: {  	v13 =	vld.idx.msk [tilespmem:v14+s19+$0x0], $0xffff  }
0xb2: {  	v14 =	vld [tilespmem:s26+$0xFFFFFFE0];
	v12 =	vadd.s32 $0x40, v12  }
0xb3: {  	v12 =	vbroadcast v12, $0x0;
	_ =	sdelay $0x1  }
0xb4: {  	v15 =	vor.u32 v1, v12;
	_ =	sdelay $0x1  }
0xb5: {  	v13 =	vmul.f32 v14, v13;
	_ =	sdelay $0x1  }
0xb6: {  	[tilespmem:s25+$0xFFFFFFE0] =	vst v13  }
0xb7: {  	v13 =	vld.idx.msk [tilespmem:v15+s19+$0x0], $0xffff  }
0xb8: {  	v14 =	vld [tilespmem:s26+$0x0];
	_ =	sdelay $0x2  }
0xb9: {  	v15 =	vor.u32 v9, v12;
	_ =	sdelay $0x1  }
0xba: {  	v13 =	vmul.f32 v14, v13;
	_ =	sdelay $0x1  }
0xbb: {  	[tilespmem:s25+$0x0] =	vst v13  }
0xbc: {  	v13 =	vld.idx.msk [tilespmem:v15+s19+$0x0], $0xffff  }
0xbd: {  	v14 =	vld [tilespmem:s26+$0x10];
	_ =	sdelay $0x2  }
0xbe: {  	v15 =	vor.u32 v10, v12;
	_ =	sdelay $0x1  }
0xbf: {  	v13 =	vmul.f32 v14, v13;
	_ =	sdelay $0x1  }
0xc0: {  	[tilespmem:s25+$0x10] =	vst v13  }
0xc1: {  	v13 =	vld.idx.msk [tilespmem:v15+s19+$0x0], $0xffff  }
0xc2: {  	v14 =	vld [tilespmem:s26+$0x20];
	_ =	sdelay $0x2  }
0xc3: {  	v12 =	vor.u32 v11, v12;
	_ =	sdelay $0x1  }
0xc4: {  	v13 =	vmul.f32 v14, v13;
	_ =	sdelay $0x1  }
0xc5: {  	[tilespmem:s25+$0x20] =	vst v13  }
0xc6: {  	v14 =	vld.idx.msk [tilespmem:v12+s19+$0x0], $0xffff  }
0xc7: {  	v15 =	vld [tilespmem:s26+$0x30]  }
.Ltmp1:
0xc8: {  	v12 =	vor.u32 s28, v1;
	(pc) =	sbr.rel @p0 .LBB2_5-.Ltmp1, $4  }
0xc9: {  	v16 =	vmul.u32 $0x50, v12;
	v12 =	vshll.u32 v12, $0x4  }
0xca: {  	v13 =	vor.u32 v2, v12  }
0xcb: {  	v12 =	vadd.s32 v3, v16  }
0xcc: {  	s31 =	smov.u32 s29;
	v14 =	vmul.f32 v15, v14  }
0xcd: {  	_ =	sdelay $0x2  }
0xce: {  	[tilespmem:s25+$0x30] =	vst v14  }
0xcf: {  	v13 =	vld.idx.msk [tilespmem:v13+s16+$0x0], $0xffff  }
0xd0: {  	v14 =	vld.idx.msk [tilespmem:v12+s15+$0x0], $0xffff;
	_ =	sdelay $0x4  }
0xd1: {  	v13 =	vadd.f32 v13, v14;
	_ =	sdelay $0x1  }
0xd2: {  	v13 =	vmul.f32 $1.442695020e+00, v13;
	_ =	sdelay $0x1  }
0xd3: {  	v45 =	vmul.f32 $2.000000030e-01, v13;
	_ =	sdelay $0x1  }
0xd4: {  	v13 =	vmax.f32 v13, v45  }
0xd5: {  	v14 =	vadd.f32 $5.000000000e-01, v13;
	_ =	sdelay $0x1  }
0xd6: {  	v15 =	vtrunc.f32 v14  }
0xd7: {  	v15 =	vcvt.f32.s32 v15;
	_ =	sdelay $0x1  }
0xd8: {  	v16 =	vcvt.s32.f32 v15;
	_ =	sdelay $0x1  }
0xd9: {  	vm0 =	vlt.f32 v14, v16  }
0xda: {  	v14 =	vsel vm0, $0x3F800000, v0  }
0xdb: {  	v14 =	vsub.f32 v16, v14;
	_ =	sdelay $0x1  }
0xdc: {  	v13 =	vsub.f32 v13, v14;
	_ =	sdelay $0x1  }
0xdd: {  	v13 =	vmul.f32 $6.931471820e-01, v13;
	_ =	sdelay $0x1  }
0xde: {  	v46 =	vmul.f32 $1.388888920e-03, v13;
	_ =	sdelay $0x1  }
0xdf: {  	v14 =	vadd.f32 $8.333333770e-03, v46;
	_ =	sdelay $0x1  }
0xe0: {  	v14 =	vmul.f32 v14, v13;
	_ =	sdelay $0x1  }
0xe1: {  	v14 =	vadd.f32 $4.166666790e-02, v14;
	_ =	sdelay $0x1  }
0xe2: {  	v14 =	vmul.f32 v14, v13;
	_ =	sdelay $0x1  }
0xe3: {  	v14 =	vadd.f32 $1.666666720e-01, v14;
	_ =	sdelay $0x1  }
0xe4: {  	v14 =	vmul.f32 v14, v13;
	_ =	sdelay $0x1  }
0xe5: {  	v14 =	vadd.f32 $5.000000000e-01, v14;
	_ =	sdelay $0x1  }
0xe6: {  	v47 =	vsel vm0, $0xFFFFFFFF, v4;
	v14 =	vmul.f32 v14, v13  }
0xe7: {  	v15 =	vadd.s32 v15, v47  }
0xe8: {  	vm15 =	vgt.s32 v15, $0xFFFFFF82;
	v14 =	vadd.f32 $1.000000000e+00, v14  }
0xe9: {  	v48 =	vmov s28;
	v15 =	vnsel vm15, $0xFFFFFF82, v15  }
0xea: {  	v49 =	vmul.u32 $0x50, v48;
	vm0 =	vlt.s32 v15, $0x7F;
	v13 =	vmul.f32 v14, v13  }
0xeb: {  	v15 =	vnsel vm0, $0x7F, v15  }
0xec: {  	v16 =	vadd.s32 v5, v49;
	v15 =	vshll.u32 v15, $0x17;
	v13 =	vadd.f32 $1.000000000e+00, v13  }
0xed: {  	v15 =	vadd.s32 $0x3F800000, v15  }
0xee: {  	v13 =	vmul.f32 v15, v13;
	_ =	sdelay $0x1  }
0xef: {  	[tilespmem:v12+s19+$0x0] =	vst.idx.msk $0xffff, v13  }
0xf0: {  	s26 =	sadd.s32 $0xA0, s26;
	v12 =	vld.idx.msk [tilespmem:v16+s19+$0x0], $0xffff  }
0xf1: {  	v13 =	vld [tilespmem:s26+$0xFFFFFFB0];
	_ =	sdelay $0x2  }
0xf2: {  	v50 =	vadd.s32 v6, v49;
	_ =	sdelay $0x1  }
0xf3: {  	v12 =	vmul.f32 v13, v12  }
0xf4: {  	s30 =	sadd.s32 $0xA0, s25  }
0xf5: {  	[tilespmem:s30+$0xFFFFFFB0] =	vst v12  }
0xf6: {  	v12 =	vld.idx.msk [tilespmem:v50+s19+$0x0], $0xffff  }
0xf7: {  	v51 =	vld [tilespmem:s26+$0xFFFFFFC0];
	_ =	sdelay $0x2  }
0xf8: {  	v52 =	vadd.s32 v7, v49;
	_ =	sdelay $0x1  }
0xf9: {  	v12 =	vmul.f32 v51, v12;
	_ =	sdelay $0x1  }
0xfa: {  	[tilespmem:s30+$0xFFFFFFC0] =	vst v12  }
0xfb: {  	v12 =	vld.idx.msk [tilespmem:v52+s19+$0x0], $0xffff  }
0xfc: {  	v53 =	vld [tilespmem:s26+$0xFFFFFFD0];
	_ =	sdelay $0x2  }
0xfd: {  	v14 =	vadd.s32 v8, v49;
	_ =	sdelay $0x1  }
0xfe: {  	s31 =	sadd.s32 $0x1, s28;
	v12 =	vmul.f32 v53, v12  }
0xff: {  	v54 =	vmov s31  }
0x100: {  	v55 =	vmul.u32 $0x50, v54;
	[tilespmem:s30+$0xFFFFFFD0] =	vst v12  }
0x101: {  	v56 =	vld.idx.msk [tilespmem:v14+s19+$0x0], $0xffff  }
0x102: {  	v12 =	vadd.s32 $0x40, v55;
	v57 =	vld [tilespmem:s26+$0xFFFFFFE0]  }
0x103: {  	v12 =	vbroadcast v12, $0x0;
	_ =	sdelay $0x1  }
0x104: {  	v58 =	vor.u32 v1, v12;
	_ =	sdelay $0x1  }
0x105: {  	v13 =	vmul.f32 v57, v56;
	_ =	sdelay $0x1  }
0x106: {  	[tilespmem:s30+$0xFFFFFFE0] =	vst v13  }
0x107: {  	v13 =	vld.idx.msk [tilespmem:v58+s19+$0x0], $0xffff  }
0x108: {  	v59 =	vld [tilespmem:s26+$0x0];
	_ =	sdelay $0x2  }
0x109: {  	v60 =	vor.u32 v9, v12;
	_ =	sdelay $0x1  }
0x10a: {  	v13 =	vmul.f32 v59, v13;
	_ =	sdelay $0x1  }
0x10b: {  	[tilespmem:s30+$0x0] =	vst v13  }
0x10c: {  	v13 =	vld.idx.msk [tilespmem:v60+s19+$0x0], $0xffff  }
0x10d: {  	v61 =	vld [tilespmem:s26+$0x10];
	_ =	sdelay $0x2  }
0x10e: {  	v62 =	vor.u32 v10, v12;
	_ =	sdelay $0x1  }
0x10f: {  	v13 =	vmul.f32 v61, v13;
	_ =	sdelay $0x1  }
0x110: {  	[tilespmem:s30+$0x10] =	vst v13  }
0x111: {  	v13 =	vld.idx.msk [tilespmem:v62+s19+$0x0], $0xffff  }
0x112: {  	v63 =	vld [tilespmem:s26+$0x20];
	_ =	sdelay $0x2  }
0x113: {  	v12 =	vor.u32 v11, v12;
	_ =	sdelay $0x1  }
0x114: {  	v13 =	vmul.f32 v63, v13;
	_ =	sdelay $0x1  }
0x115: {  	[tilespmem:s30+$0x20] =	vst v13  }
0x116: {  	v12 =	vld.idx.msk [tilespmem:v12+s19+$0x0], $0xffff  }
0x117: {  	v13 =	vld [tilespmem:s26+$0x30];
	_ =	sdelay $0x4  }
0x118: {  	s23 =	sadd.s32 $0x1, s23;
	v12 =	vmul.f32 v13, v12  }
0x119: {  	p0 =	sne.s32 s23, $0x51  }
.Ltmp2:
0x11a: {  	[tilespmem:s30+$0x30] =	vst v12;
	(pc) =	sbr.rel @p0 .LBB2_4-.Ltmp2, $4  }
0x11b: {  	[spmem:s3] =	stream.indirect.scatter.add.f32 [tilespmem:s19], [sflag:$0x3], $0x50, s24, s14, $0xb8;
	[tilespmem:$0x19900] =	vst v63  }
0x11c: {  	_ =	swait.ge [sflag:s12], $0x2800  }
0x11d: {  	[sflag:s12] =	ssyncset.done $0x0  }
0x11e: {  	[sflag:s12] =	ssyncadd.s32 $0xFFFFD800  }
0x11f: {  	s21 =	sadd.s32 $0x1, s21  }
0x120: {  	p0 =	sne.s32 s21, s10  }
.Ltmp3:
0x121: {  	[bflag:$0x0] =	sbarrier.arrive $0xFFFF;
	(pc) =	sbr.rel @p0 .LBB2_1-.Ltmp3, $4  }
0x122: {  	[hbm:s20], [sflag:s7] =	dma.local [spmem:s11], $0x1900  }
0x123: {  	_ =	swait.ge [sflag:s12], $0x1900  }
0x124: {  	[sflag:s12] =	ssyncset.done $0x0  }
0x125: {  	[sflag:s12] =	ssyncadd.s32 $0xFFFFE700  }
0x126: {  	_ =	sfence.sel $0x180000  }
0x127: {  	[bflag:$0x0] =	sbarrier.arrive $0xFFFF  }
0x128: {  	p0 =	sne.s32 s1, $0x0;
	_ =	strace $0x90000047  }
0x129: {  	s0 =	sadd.s32 @!p0 $0x100000, s0;
	[bflag:$0x2] =	sbarrier.arrive $0xFFFF  }
0x12a: {  	[sflag:s0] =	ssyncadd.tile.s32 @!p0 $0x1;
	_ =	shalt  }
.Lfunc_end2:
_tile_overlayer_lowered:
.L_overlay_start_2:
0x12b: {  	(tag) =	ssettag $0x2  }
0x12c: {  	s0 =	rddreg [dreg:$0x0];
	s2 =	stileid.u32  }
0x12d: {  	s1 =	rddreg [dreg:$0x1];
	p0 =	sne.s32 s2, $0x0  }
0x12e: {  	s3 =	rddreg [dreg:$0x2];
	[bflag:$0x3] =	sbarrier.arrive $0xFFFF;
	s2 =	simm.s32 @!p0 $0x1C03  }
0x12f: {  	[timem:s3], [sflag:s2] =	dma.local @!p0 [hbm:s0], s1  }
0x130: {  	s0 =	simm.s32 @!p0 $0x3  }
0x131: {  	_ =	swait.ge @!p0 [sflag:s0], s1  }
0x132: {  	s1 =	ssub.s32 @!p0 $0x0, s1;
	[sflag:s0] =	ssyncset.done @!p0 $0x0  }
0x133: {  	[sflag:s0] =	ssyncadd.s32 @!p0 s1  }
0x134: {  	[bflag:$0x3] =	sbarrier.arrive $0xFFFF  }
0x135: {  	_ =	shalt  }

</sc_bundles>
